<compile_context>
chip_gen: v7x
topology: tpu7x:2x2x1
jax: 0.10.2.dev20260603
libtpu: 0.0.44.dev20260713+nightly
codegen_flags: <defaults>
</compile_context>

<pallas_src>
import functools

import jax
import jax.numpy as jnp
from jax import lax
from jax.experimental import pallas as pl
from jax.experimental.pallas import tpu as pltpu
from jax.experimental.pallas import tpu_sc as plsc

_NB = 8192
_CD = 256
_N = 16
_T = 512
_NT = _N * _T
_KC = 1024

_NC = 2
_NS = 16
_NW = _NC * _NS
_IR = 128
_RPW = _NT // _IR // _NW


def _dist_argmin_body(x_ref, cb_ref, x2_ref, c2_ref, idx_ref, dsum_ref,
                      cbm2_ref):
    xb = x_ref[0].astype(jnp.bfloat16)
    x2b = x2_ref[0]

    @pl.when(pl.program_id(0) == 0)
    def _():
        cbm2_ref[...] = (cb_ref[...] * -2.0).astype(jnp.bfloat16)

    rows_f = lax.broadcasted_iota(jnp.int32, (_KC, _T), 0).astype(jnp.float32)

    def chunk(k, carry):
        bv, bi = carry
        cb = cbm2_ref[pl.ds(k * _KC, _KC), :]
        c2 = c2_ref[pl.ds(k * _KC, _KC), :]
        mm2 = jnp.dot(cb, xb, preferred_element_type=jnp.float32)
        d = (mm2 + x2b) + c2
        m = jnp.min(d, axis=0, keepdims=True)
        af = jnp.min(jnp.where(d == m, rows_f, float(_NB)), axis=0, keepdims=True)
        a = af.astype(jnp.int32) + k * _KC
        upd = m < bv
        return jnp.where(upd, m, bv), jnp.where(upd, a, bi)

    def half(h0):
        carry = (jnp.full((1, _T), jnp.inf, jnp.float32),
                 jnp.zeros((1, _T), jnp.int32))
        for k in range(h0, h0 + _NB // _KC // 2):
            carry = chunk(k, carry)
        return carry

    bv0, bi0 = half(0)
    bv1, bi1 = half(_NB // _KC // 2)
    bv0r = bv0.astype(jnp.bfloat16).astype(jnp.float32)
    pick1 = bv1 < bv0r
    bv = jnp.where(pick1, bv1, bv0)
    bi = jnp.where(pick1, bi1, bi0)
    idx_ref[0] = bi

    @pl.when(pl.program_id(0) == 0)
    def _():
        dsum_ref[...] = jnp.zeros((1, 1), jnp.float32)

    dsum_ref[...] += jnp.sum(bv, keepdims=True)


_dist_argmin = pl.pallas_call(
    _dist_argmin_body,
    grid=(_N,),
    in_specs=[
        pl.BlockSpec((1, _CD, _T), lambda n: (n, 0, 0)),
        pl.BlockSpec((_NB, _CD), lambda n: (0, 0)),
        pl.BlockSpec((1, 1, _T), lambda n: (n, 0, 0)),
        pl.BlockSpec((_NB, 1), lambda n: (0, 0)),
    ],
    out_specs=[
        pl.BlockSpec((1, 1, _T), lambda n: (n, 0, 0)),
        pl.BlockSpec((1, 1), lambda n: (0, 0)),
    ],
    out_shape=[
        jax.ShapeDtypeStruct((_N, 1, _T), jnp.int32),
        jax.ShapeDtypeStruct((1, 1), jnp.float32),
    ],
    scratch_shapes=[pltpu.VMEM((_NB, _CD), jnp.bfloat16)],
)


@functools.partial(
    pl.kernel,
    out_type=(
        jax.ShapeDtypeStruct((_NT // _IR, _IR, _CD), jnp.float32),
        jax.ShapeDtypeStruct((_NC, _NB), jnp.float32),
    ),
    mesh=plsc.VectorSubcoreMesh(core_axis_name="c", subcore_axis_name="s"),
    scratch_types=(
        pltpu.VMEM((_RPW, _IR), jnp.int32),
        pltpu.VMEM((_RPW, _IR, _CD), jnp.float32),
        pltpu.VMEM((_IR,), jnp.float32),
        pltpu.VMEM_SHARED((_NB,), jnp.float32),
        pltpu.SemaphoreType.DMA,
    ),
)
def _sc_gather_count(cb_hbm, idx_hbm, zeros_hbm, ones_hbm,
                     xd_hbm, cnt_hbm, idx_v, rows_v, ones_v, cnt_sh, sem):
    c = lax.axis_index("c")
    s = lax.axis_index("s")
    wid = s * _NC + c
    row0 = wid * _RPW
    pltpu.sync_copy(idx_hbm.at[pl.ds(row0, _RPW)], idx_v)
    cps = [pltpu.async_copy(cb_hbm.at[idx_v.at[j]], rows_v.at[j], sem)
           for j in range(_RPW)]

    @pl.when(s == 0)
    def _():
        pltpu.sync_copy(zeros_hbm, cnt_sh)

    pltpu.sync_copy(ones_hbm, ones_v)
    plsc.subcore_barrier()
    for j in range(_RPW):
        pltpu.sync_copy(ones_v, cnt_sh.at[idx_v.at[j]], add=True)
    plsc.subcore_barrier()

    @pl.when(s == 0)
    def _():
        pltpu.sync_copy(cnt_sh, cnt_hbm.at[c])

    for cp in cps:
        cp.wait()
    pltpu.sync_copy(rows_v, xd_hbm.at[pl.ds(row0, _RPW)])


def _finalize_body(cnt_ref, dsum_ref, perp_ref, commit_ref):
    cts = cnt_ref[0] + cnt_ref[1]
    prob = cts / jnp.sum(cts)
    ent = jnp.sum(prob * jnp.log(prob + 1e-7), keepdims=True).reshape(1, 1)
    perp_ref[...] = jnp.exp(-ent)
    commit_ref[...] = dsum_ref[...] / float(_NT * _CD)


_finalize = pl.pallas_call(
    _finalize_body,
    in_specs=[
        pl.BlockSpec((_NC, _NB // 128, 128), lambda: (0, 0, 0)),
        pl.BlockSpec((1, 1), lambda: (0, 0)),
    ],
    out_specs=[
        pl.BlockSpec((1, 1), lambda: (0, 0)),
        pl.BlockSpec((1, 1), lambda: (0, 0)),
    ],
    out_shape=[
        jax.ShapeDtypeStruct((1, 1), jnp.float32),
        jax.ShapeDtypeStruct((1, 1), jnp.float32),
    ],
)


def kernel(x, codebook):
    xf3 = lax.optimization_barrier(jnp.transpose(x, (0, 2, 1)))
    x2 = jnp.sum(xf3 ** 2, axis=2)
    c2 = jnp.sum(codebook ** 2, axis=1)

    idx3, dsum = _dist_argmin(
        x, codebook,
        x2.reshape(_N, 1, _T), c2.reshape(_NB, 1))

    idx_rows = idx3.reshape(_NT // _IR, _IR)
    zeros = jnp.zeros((_NB,), jnp.float32)
    ones = jnp.ones((_IR,), jnp.float32)
    xd_rows, cnt2 = _sc_gather_count(codebook, idx_rows, zeros, ones)

    perp, commit = _finalize(cnt2.reshape(_NC, _NB // 128, 128), dsum)

    out = jnp.transpose(xd_rows.reshape(_N, _T, _CD), (0, 2, 1))
    return (out, commit[0, 0], perp[0, 0])

# --- scband reference (transcript-rebuilt; emitter-appended) ---
"""Pipeline reference for scband-quantizer-emareset-10479720202871 (READ-ONLY COPY).

The authoritative reference and input builder live on the scoring server;
editing this copy changes nothing except your own understanding.
"""

import jax, jax.numpy as jnp
import numpy as np

NB_CODE = 8192
CODE_DIM = 256

def setup_inputs(seed: int = 0) -> dict:
    key = jax.random.key(seed)
    k1, k2 = jax.random.split(key)
    x = jax.random.normal(k1, (16, CODE_DIM, 512), dtype=jnp.float32)
    # learned codebook buffer (post-init state; eval-mode forward)
    codebook = jax.random.normal(k2, (NB_CODE, CODE_DIM), dtype=jnp.float32)
    return {"x": x, "codebook": codebook}

def reference(x, codebook):
    # eval-mode forward of QuantizerEMAReset (training=False, return_idx=False, temperature=0.0)
    N, C, T = x.shape
    # preprocess: 'n c t -> (n t) c'
    xf = jnp.transpose(x, (0, 2, 1)).reshape(N * T, C)
    # quantize: squared L2 distance to codebook, argmax of -distance (no gumbel in eval)
    k_w = codebook.T  # (code_dim, nb_code)
    distance = (jnp.sum(xf ** 2, axis=-1, keepdims=True)
                - 2.0 * (xf @ k_w)
                + jnp.sum(k_w ** 2, axis=0, keepdims=True))
    code_idx = jnp.argmax(-distance, axis=-1)
    # dequantize: embedding lookup
    x_d = jnp.take(codebook, code_idx, axis=0)
    # compute_perplexity (eval path)
    code_count = jnp.bincount(code_idx, length=NB_CODE).astype(jnp.float32)
    prob = code_count / jnp.sum(code_count)
    perplexity = jnp.exp(-jnp.sum(prob * jnp.log(prob + 1e-7)))
    # commitment loss (x_d detached)
    commit_loss = jnp.mean((xf - jax.lax.stop_gradient(x_d)) ** 2)
    # straight-through estimator
    x_d_st = xf + jax.lax.stop_gradient(x_d - xf)
    out = jnp.transpose(x_d_st.reshape(N, T, C), (0, 2, 1))
    return (out, commit_loss, perplexity)

if __name__ == "__main__":
    import jax
    _d = setup_inputs()
    print(jax.jit(kernel)(*tuple(_d.values())))

</pallas_src>

<mosaic_0001>
#map = affine_map<(d0, d1) -> (0, 0)>
#map1 = affine_map<(d0, d1) -> (0)>
#map2 = affine_map<(d0, d1) -> (0, 0, 0)>
module attributes {stable_mosaic.version = 14 : i64} {
  func.func @_sc_gather_count(%arg0: i32, %arg1: i32, %arg2: memref<8192x256xf32, #tpu.memory_space<hbm>>, %arg3: memref<64x128xi32, #tpu.memory_space<hbm>>, %arg4: memref<8192xf32, #tpu.memory_space<hbm>>, %arg5: memref<128xf32, #tpu.memory_space<hbm>>, %arg6: memref<64x128x256xf32, #tpu.memory_space<hbm>>, %arg7: memref<2x8192xf32, #tpu.memory_space<hbm>>, %arg8: memref<2x128xi32, #tpu.memory_space<vmem>>, %arg9: memref<2x128x256xf32, #tpu.memory_space<vmem>>, %arg10: memref<128xf32, #tpu.memory_space<vmem>>, %arg11: memref<8192xf32, #tpu.memory_space<vmem_shared>>, %arg12: memref<!tpu.dma_semaphore, #tpu.memory_space<semaphore_mem>>) attributes {dimension_semantics = [#tpu.dimension_semantics<core_parallel>, #tpu.dimension_semantics<subcore_parallel>], iteration_bounds = array<i64: 2, 16>, scalar_prefetch = 0 : i64, scratch_operands = 5 : i64, tpu.core_type = #tpu.core_type<sc_vector_subcore>, window_params = [{transform_indices = #map}, {transform_indices = #map}, {transform_indices = #map1}, {transform_indices = #map1}, {transform_indices = #map2}, {transform_indices = #map}]} {
    %mul3A = arith.constant 2 : i32
    %mul3A_0 = arith.muli %arg1, %mul3A : i32
    %add3A = arith.addi %mul3A_0, %arg0 : i32
    %mul3A_1 = arith.constant 2 : i32
    %mul3A_2 = arith.muli %add3A, %mul3A_1 : i32
    "tpu.region"() ({
      %run_scoped3A_58 = tpu.sem_alloc : memref<!tpu.dma_semaphore, #tpu.memory_space<semaphore_mem>>
      %dma_start3A_59 = arith.constant 0 : i32
      %dma_start3A_60 = tpu.memref_slice %arg3[%mul3A_2, %dma_start3A_59] : memref<64x128xi32, #tpu.memory_space<hbm>> -> memref<2x128xi32, #tpu.memory_space<hbm>>
      %dma_start3A_61 = arith.constant 0 : i32
      %dma_start3A_62 = tpu.memref_slice %arg3[%mul3A_2, %dma_start3A_61] : memref<64x128xi32, #tpu.memory_space<hbm>> -> memref<2x128xi32, #tpu.memory_space<hbm>>
      tpu.enqueue_dma source(%dma_start3A_62 : memref<2x128xi32, #tpu.memory_space<hbm>>) target(%arg8 : memref<2x128xi32, #tpu.memory_space<vmem>>) target_semaphore(%run_scoped3A_58 : memref<!tpu.dma_semaphore, #tpu.memory_space<semaphore_mem>>)
      %dma_wait3A_63 = arith.constant 0 : i32
      %dma_wait3A_64 = tpu.memref_slice %arg3[%mul3A_2, %dma_wait3A_63] : memref<64x128xi32, #tpu.memory_space<hbm>> -> memref<2x128xi32, #tpu.memory_space<hbm>>
      %dma_wait3A_65 = arith.constant 0 : i32
      %dma_wait3A_66 = tpu.memref_slice %arg3[%mul3A_2, %dma_wait3A_65] : memref<64x128xi32, #tpu.memory_space<hbm>> -> memref<2x128xi32, #tpu.memory_space<hbm>>
      tpu.wait_dma2 semaphore(%run_scoped3A_58 : memref<!tpu.dma_semaphore, #tpu.memory_space<semaphore_mem>>) src(%dma_wait3A_66 : memref<2x128xi32, #tpu.memory_space<hbm>>) dst(%arg8 : memref<2x128xi32, #tpu.memory_space<vmem>>)
      tpu.yield
    }) : () -> ()
    %dma_start3A = arith.constant 0 : i32
    %dma_start3A_3 = arith.constant 0 : i32
    %dma_start3A_4 = arith.constant 0 : i32
    %dma_start3A_5 = arith.constant 0 : i32
    %dma_start3A_6 = tpu.memref_slice %arg9[%dma_start3A_3, %dma_start3A_4, %dma_start3A_5] : memref<2x128x256xf32, #tpu.memory_space<vmem>> -> memref<1x128x256xf32, #tpu.memory_space<vmem>>
    %dma_start3A_7 = tpu.memref_squeeze %dma_start3A_6 : memref<1x128x256xf32, #tpu.memory_space<vmem>> -> memref<128x256xf32, #tpu.memory_space<vmem>>
    %dma_start3A_8 = arith.constant 0 : i32
    %dma_start3A_9 = tpu.memref_slice %arg8[%dma_start3A, %dma_start3A_8] : memref<2x128xi32, #tpu.memory_space<vmem>> -> memref<1x128xi32, #tpu.memory_space<vmem>>
    %dma_start3A_10 = tpu.memref_squeeze %dma_start3A_9 : memref<1x128xi32, #tpu.memory_space<vmem>> -> memref<128xi32, #tpu.memory_space<vmem>>
    %dma_start3A_11 = arith.constant 0 : i32
    %dma_start3A_12 = arith.constant 0 : i32
    %dma_start3A_13 = tpu.memref_slice %arg2[%dma_start3A_11, %dma_start3A_12] : memref<8192x256xf32, #tpu.memory_space<hbm>> -> memref<8192x256xf32, #tpu.memory_space<hbm>>
    tpu.enqueue_indirect_dma source(%dma_start3A_13 : memref<8192x256xf32, #tpu.memory_space<hbm>>) target(%dma_start3A_7 : memref<128x256xf32, #tpu.memory_space<vmem>>) offsets(%dma_start3A_10 : memref<128xi32, #tpu.memory_space<vmem>>) semaphore(%arg12 : memref<!tpu.dma_semaphore, #tpu.memory_space<semaphore_mem>>)
    %dma_start3A_14 = arith.constant 1 : i32
    %dma_start3A_15 = arith.constant 1 : i32
    %dma_start3A_16 = arith.constant 0 : i32
    %dma_start3A_17 = arith.constant 0 : i32
    %dma_start3A_18 = tpu.memref_slice %arg9[%dma_start3A_15, %dma_start3A_16, %dma_start3A_17] : memref<2x128x256xf32, #tpu.memory_space<vmem>> -> memref<1x128x256xf32, #tpu.memory_space<vmem>>
    %dma_start3A_19 = tpu.memref_squeeze %dma_start3A_18 : memref<1x128x256xf32, #tpu.memory_space<vmem>> -> memref<128x256xf32, #tpu.memory_space<vmem>>
    %dma_start3A_20 = arith.constant 0 : i32
    %dma_start3A_21 = tpu.memref_slice %arg8[%dma_start3A_14, %dma_start3A_20] : memref<2x128xi32, #tpu.memory_space<vmem>> -> memref<1x128xi32, #tpu.memory_space<vmem>>
    %dma_start3A_22 = tpu.memref_squeeze %dma_start3A_21 : memref<1x128xi32, #tpu.memory_space<vmem>> -> memref<128xi32, #tpu.memory_space<vmem>>
    %dma_start3A_23 = arith.constant 0 : i32
    %dma_start3A_24 = arith.constant 0 : i32
    %dma_start3A_25 = tpu.memref_slice %arg2[%dma_start3A_23, %dma_start3A_24] : memref<8192x256xf32, #tpu.memory_space<hbm>> -> memref<8192x256xf32, #tpu.memory_space<hbm>>
    tpu.enqueue_indirect_dma source(%dma_start3A_25 : memref<8192x256xf32, #tpu.memory_space<hbm>>) target(%dma_start3A_19 : memref<128x256xf32, #tpu.memory_space<vmem>>) offsets(%dma_start3A_22 : memref<128xi32, #tpu.memory_space<vmem>>) semaphore(%arg12 : memref<!tpu.dma_semaphore, #tpu.memory_space<semaphore_mem>>)
    %eq3A = arith.constant 0 : i32
    %eq3A_26 = arith.cmpi eq, %arg1, %eq3A : i32
    %convert_element_type3A = arith.extui %eq3A_26 : i1 to i32
    %cond3A = arith.constant 0 : i32
    %cond3A_27 = arith.cmpi ne, %convert_element_type3A, %cond3A : i32
    scf.if %cond3A_27 {
      "tpu.region"() ({
        %run_scoped3A_58 = tpu.sem_alloc : memref<!tpu.dma_semaphore, #tpu.memory_space<semaphore_mem>>
        tpu.enqueue_dma source(%arg4 : memref<8192xf32, #tpu.memory_space<hbm>>) target(%arg11 : memref<8192xf32, #tpu.memory_space<vmem_shared>>) target_semaphore(%run_scoped3A_58 : memref<!tpu.dma_semaphore, #tpu.memory_space<semaphore_mem>>)
        tpu.wait_dma2 semaphore(%run_scoped3A_58 : memref<!tpu.dma_semaphore, #tpu.memory_space<semaphore_mem>>) src(%arg4 : memref<8192xf32, #tpu.memory_space<hbm>>) dst(%arg11 : memref<8192xf32, #tpu.memory_space<vmem_shared>>)
        tpu.yield
      }) : () -> ()
    } else {
    }
    "tpu.region"() ({
      %run_scoped3A_58 = tpu.sem_alloc : memref<!tpu.dma_semaphore, #tpu.memory_space<semaphore_mem>>
      tpu.enqueue_dma source(%arg5 : memref<128xf32, #tpu.memory_space<hbm>>) target(%arg10 : memref<128xf32, #tpu.memory_space<vmem>>) target_semaphore(%run_scoped3A_58 : memref<!tpu.dma_semaphore, #tpu.memory_space<semaphore_mem>>)
      tpu.wait_dma2 semaphore(%run_scoped3A_58 : memref<!tpu.dma_semaphore, #tpu.memory_space<semaphore_mem>>) src(%arg5 : memref<128xf32, #tpu.memory_space<hbm>>) dst(%arg10 : memref<128xf32, #tpu.memory_space<vmem>>)
      tpu.yield
    }) : () -> ()
    %barrier3A = arith.constant 0 : index
    tpu.barrier barrier_id(%barrier3A)
    %run_scoped3A = arith.constant 0 : i32
    "tpu.region"() ({
      %run_scoped3A_58 = tpu.sem_alloc : memref<!tpu.dma_semaphore, #tpu.memory_space<semaphore_mem>>
      %dma_start3A_59 = arith.constant 0 : i32
      %dma_start3A_60 = tpu.memref_slice %arg8[%run_scoped3A, %dma_start3A_59] : memref<2x128xi32, #tpu.memory_space<vmem>> -> memref<1x128xi32, #tpu.memory_space<vmem>>
      %dma_start3A_61 = tpu.memref_squeeze %dma_start3A_60 : memref<1x128xi32, #tpu.memory_space<vmem>> -> memref<128xi32, #tpu.memory_space<vmem>>
      %dma_start3A_62 = arith.constant 0 : i32
      %dma_start3A_63 = tpu.memref_slice %arg11[%dma_start3A_62] : memref<8192xf32, #tpu.memory_space<vmem_shared>> -> memref<8192xf32, #tpu.memory_space<vmem_shared>>
      tpu.enqueue_indirect_dma source(%arg10 : memref<128xf32, #tpu.memory_space<vmem>>) target(%dma_start3A_63 : memref<8192xf32, #tpu.memory_space<vmem_shared>>) offsets(%dma_start3A_61 : memref<128xi32, #tpu.memory_space<vmem>>) semaphore(%run_scoped3A_58 : memref<!tpu.dma_semaphore, #tpu.memory_space<semaphore_mem>>) {add = true}
      %dma_wait3A_64 = arith.constant 0 : i32
      %dma_wait3A_65 = tpu.memref_slice %arg8[%run_scoped3A, %dma_wait3A_64] : memref<2x128xi32, #tpu.memory_space<vmem>> -> memref<1x128xi32, #tpu.memory_space<vmem>>
      %dma_wait3A_66 = tpu.memref_squeeze %dma_wait3A_65 : memref<1x128xi32, #tpu.memory_space<vmem>> -> memref<128xi32, #tpu.memory_space<vmem>>
      %dma_wait3A_67 = arith.constant 0 : i32
      %dma_wait3A_68 = tpu.memref_slice %arg11[%dma_wait3A_67] : memref<8192xf32, #tpu.memory_space<vmem_shared>> -> memref<8192xf32, #tpu.memory_space<vmem_shared>>
      tpu.wait_indirect_dma semaphore(%run_scoped3A_58 : memref<!tpu.dma_semaphore, #tpu.memory_space<semaphore_mem>>) src(%arg10 : memref<128xf32, #tpu.memory_space<vmem>>) dst(%dma_wait3A_68 : memref<8192xf32, #tpu.memory_space<vmem_shared>>)
      tpu.yield
    }) : () -> ()
    %run_scoped3A_28 = arith.constant 1 : i32
    "tpu.region"() ({
      %run_scoped3A_58 = tpu.sem_alloc : memref<!tpu.dma_semaphore, #tpu.memory_space<semaphore_mem>>
      %dma_start3A_59 = arith.constant 0 : i32
      %dma_start3A_60 = tpu.memref_slice %arg8[%run_scoped3A_28, %dma_start3A_59] : memref<2x128xi32, #tpu.memory_space<vmem>> -> memref<1x128xi32, #tpu.memory_space<vmem>>
      %dma_start3A_61 = tpu.memref_squeeze %dma_start3A_60 : memref<1x128xi32, #tpu.memory_space<vmem>> -> memref<128xi32, #tpu.memory_space<vmem>>
      %dma_start3A_62 = arith.constant 0 : i32
      %dma_start3A_63 = tpu.memref_slice %arg11[%dma_start3A_62] : memref<8192xf32, #tpu.memory_space<vmem_shared>> -> memref<8192xf32, #tpu.memory_space<vmem_shared>>
      tpu.enqueue_indirect_dma source(%arg10 : memref<128xf32, #tpu.memory_space<vmem>>) target(%dma_start3A_63 : memref<8192xf32, #tpu.memory_space<vmem_shared>>) offsets(%dma_start3A_61 : memref<128xi32, #tpu.memory_space<vmem>>) semaphore(%run_scoped3A_58 : memref<!tpu.dma_semaphore, #tpu.memory_space<semaphore_mem>>) {add = true}
      %dma_wait3A_64 = arith.constant 0 : i32
      %dma_wait3A_65 = tpu.memref_slice %arg8[%run_scoped3A_28, %dma_wait3A_64] : memref<2x128xi32, #tpu.memory_space<vmem>> -> memref<1x128xi32, #tpu.memory_space<vmem>>
      %dma_wait3A_66 = tpu.memref_squeeze %dma_wait3A_65 : memref<1x128xi32, #tpu.memory_space<vmem>> -> memref<128xi32, #tpu.memory_space<vmem>>
      %dma_wait3A_67 = arith.constant 0 : i32
      %dma_wait3A_68 = tpu.memref_slice %arg11[%dma_wait3A_67] : memref<8192xf32, #tpu.memory_space<vmem_shared>> -> memref<8192xf32, #tpu.memory_space<vmem_shared>>
      tpu.wait_indirect_dma semaphore(%run_scoped3A_58 : memref<!tpu.dma_semaphore, #tpu.memory_space<semaphore_mem>>) src(%arg10 : memref<128xf32, #tpu.memory_space<vmem>>) dst(%dma_wait3A_68 : memref<8192xf32, #tpu.memory_space<vmem_shared>>)
      tpu.yield
    }) : () -> ()
    %barrier3A_29 = arith.constant 0 : index
    tpu.barrier barrier_id(%barrier3A_29)
    %eq3A_30 = arith.constant 0 : i32
    %eq3A_31 = arith.cmpi eq, %arg1, %eq3A_30 : i32
    %convert_element_type3A_32 = arith.extui %eq3A_31 : i1 to i32
    %cond3A_33 = arith.constant 0 : i32
    %cond3A_34 = arith.cmpi ne, %convert_element_type3A_32, %cond3A_33 : i32
    scf.if %cond3A_34 {
      "tpu.region"() ({
        %run_scoped3A_58 = tpu.sem_alloc : memref<!tpu.dma_semaphore, #tpu.memory_space<semaphore_mem>>
        %dma_start3A_59 = arith.constant 0 : i32
        %dma_start3A_60 = tpu.memref_slice %arg7[%arg0, %dma_start3A_59] : memref<2x8192xf32, #tpu.memory_space<hbm>> -> memref<1x8192xf32, #tpu.memory_space<hbm>>
        %dma_start3A_61 = tpu.memref_squeeze %dma_start3A_60 : memref<1x8192xf32, #tpu.memory_space<hbm>> -> memref<8192xf32, #tpu.memory_space<hbm>>
        tpu.enqueue_dma source(%arg11 : memref<8192xf32, #tpu.memory_space<vmem_shared>>) target(%dma_start3A_61 : memref<8192xf32, #tpu.memory_space<hbm>>) target_semaphore(%run_scoped3A_58 : memref<!tpu.dma_semaphore, #tpu.memory_space<semaphore_mem>>)
        %dma_wait3A_62 = arith.constant 0 : i32
        %dma_wait3A_63 = tpu.memref_slice %arg7[%arg0, %dma_wait3A_62] : memref<2x8192xf32, #tpu.memory_space<hbm>> -> memref<1x8192xf32, #tpu.memory_space<hbm>>
        %dma_wait3A_64 = tpu.memref_squeeze %dma_wait3A_63 : memref<1x8192xf32, #tpu.memory_space<hbm>> -> memref<8192xf32, #tpu.memory_space<hbm>>
        tpu.wait_dma2 semaphore(%run_scoped3A_58 : memref<!tpu.dma_semaphore, #tpu.memory_space<semaphore_mem>>) src(%arg11 : memref<8192xf32, #tpu.memory_space<vmem_shared>>) dst(%dma_wait3A_64 : memref<8192xf32, #tpu.memory_space<hbm>>)
        tpu.yield
      }) : () -> ()
    } else {
    }
    %dma_wait3A = arith.constant 0 : i32
    %dma_wait3A_35 = arith.constant 0 : i32
    %dma_wait3A_36 = arith.constant 0 : i32
    %dma_wait3A_37 = arith.constant 0 : i32
    %dma_wait3A_38 = tpu.memref_slice %arg9[%dma_wait3A_35, %dma_wait3A_36, %dma_wait3A_37] : memref<2x128x256xf32, #tpu.memory_space<vmem>> -> memref<1x128x256xf32, #tpu.memory_space<vmem>>
    %dma_wait3A_39 = tpu.memref_squeeze %dma_wait3A_38 : memref<1x128x256xf32, #tpu.memory_space<vmem>> -> memref<128x256xf32, #tpu.memory_space<vmem>>
    %dma_wait3A_40 = arith.constant 0 : i32
    %dma_wait3A_41 = tpu.memref_slice %arg8[%dma_wait3A, %dma_wait3A_40] : memref<2x128xi32, #tpu.memory_space<vmem>> -> memref<1x128xi32, #tpu.memory_space<vmem>>
    %dma_wait3A_42 = tpu.memref_squeeze %dma_wait3A_41 : memref<1x128xi32, #tpu.memory_space<vmem>> -> memref<128xi32, #tpu.memory_space<vmem>>
    %dma_wait3A_43 = arith.constant 0 : i32
    %dma_wait3A_44 = arith.constant 0 : i32
    %dma_wait3A_45 = tpu.memref_slice %arg2[%dma_wait3A_43, %dma_wait3A_44] : memref<8192x256xf32, #tpu.memory_space<hbm>> -> memref<8192x256xf32, #tpu.memory_space<hbm>>
    tpu.wait_indirect_dma semaphore(%arg12 : memref<!tpu.dma_semaphore, #tpu.memory_space<semaphore_mem>>) src(%dma_wait3A_45 : memref<8192x256xf32, #tpu.memory_space<hbm>>) dst(%dma_wait3A_39 : memref<128x256xf32, #tpu.memory_space<vmem>>)
    %dma_wait3A_46 = arith.constant 1 : i32
    %dma_wait3A_47 = arith.constant 1 : i32
    %dma_wait3A_48 = arith.constant 0 : i32
    %dma_wait3A_49 = arith.constant 0 : i32
    %dma_wait3A_50 = tpu.memref_slice %arg9[%dma_wait3A_47, %dma_wait3A_48, %dma_wait3A_49] : memref<2x128x256xf32, #tpu.memory_space<vmem>> -> memref<1x128x256xf32, #tpu.memory_space<vmem>>
    %dma_wait3A_51 = tpu.memref_squeeze %dma_wait3A_50 : memref<1x128x256xf32, #tpu.memory_space<vmem>> -> memref<128x256xf32, #tpu.memory_space<vmem>>
    %dma_wait3A_52 = arith.constant 0 : i32
    %dma_wait3A_53 = tpu.memref_slice %arg8[%dma_wait3A_46, %dma_wait3A_52] : memref<2x128xi32, #tpu.memory_space<vmem>> -> memref<1x128xi32, #tpu.memory_space<vmem>>
    %dma_wait3A_54 = tpu.memref_squeeze %dma_wait3A_53 : memref<1x128xi32, #tpu.memory_space<vmem>> -> memref<128xi32, #tpu.memory_space<vmem>>
    %dma_wait3A_55 = arith.constant 0 : i32
    %dma_wait3A_56 = arith.constant 0 : i32
    %dma_wait3A_57 = tpu.memref_slice %arg2[%dma_wait3A_55, %dma_wait3A_56] : memref<8192x256xf32, #tpu.memory_space<hbm>> -> memref<8192x256xf32, #tpu.memory_space<hbm>>
    tpu.wait_indirect_dma semaphore(%arg12 : memref<!tpu.dma_semaphore, #tpu.memory_space<semaphore_mem>>) src(%dma_wait3A_57 : memref<8192x256xf32, #tpu.memory_space<hbm>>) dst(%dma_wait3A_51 : memref<128x256xf32, #tpu.memory_space<vmem>>)
    "tpu.region"() ({
      %run_scoped3A_58 = tpu.sem_alloc : memref<!tpu.dma_semaphore, #tpu.memory_space<semaphore_mem>>
      %dma_start3A_59 = arith.constant 0 : i32
      %dma_start3A_60 = arith.constant 0 : i32
      %dma_start3A_61 = tpu.memref_slice %arg6[%mul3A_2, %dma_start3A_59, %dma_start3A_60] : memref<64x128x256xf32, #tpu.memory_space<hbm>> -> memref<2x128x256xf32, #tpu.memory_space<hbm>>
      %dma_start3A_62 = arith.constant 0 : i32
      %dma_start3A_63 = arith.constant 0 : i32
      %dma_start3A_64 = tpu.memref_slice %arg6[%mul3A_2, %dma_start3A_62, %dma_start3A_63] : memref<64x128x256xf32, #tpu.memory_space<hbm>> -> memref<2x128x256xf32, #tpu.memory_space<hbm>>
      tpu.enqueue_dma source(%arg9 : memref<2x128x256xf32, #tpu.memory_space<vmem>>) target(%dma_start3A_64 : memref<2x128x256xf32, #tpu.memory_space<hbm>>) target_semaphore(%run_scoped3A_58 : memref<!tpu.dma_semaphore, #tpu.memory_space<semaphore_mem>>)
      %dma_wait3A_65 = arith.constant 0 : i32
      %dma_wait3A_66 = arith.constant 0 : i32
      %dma_wait3A_67 = tpu.memref_slice %arg6[%mul3A_2, %dma_wait3A_65, %dma_wait3A_66] : memref<64x128x256xf32, #tpu.memory_space<hbm>> -> memref<2x128x256xf32, #tpu.memory_space<hbm>>
      %dma_wait3A_68 = arith.constant 0 : i32
      %dma_wait3A_69 = arith.constant 0 : i32
      %dma_wait3A_70 = tpu.memref_slice %arg6[%mul3A_2, %dma_wait3A_68, %dma_wait3A_69] : memref<64x128x256xf32, #tpu.memory_space<hbm>> -> memref<2x128x256xf32, #tpu.memory_space<hbm>>
      tpu.wait_dma2 semaphore(%run_scoped3A_58 : memref<!tpu.dma_semaphore, #tpu.memory_space<semaphore_mem>>) src(%arg9 : memref<2x128x256xf32, #tpu.memory_space<vmem>>) dst(%dma_wait3A_70 : memref<2x128x256xf32, #tpu.memory_space<hbm>>)
      tpu.yield
    }) : () -> ()
    return
  }
}

module attributes {stable_mosaic.version = 14 : i64} {
  func.func @_dist_argmin_body(%arg0: i32, %arg1: memref<1x256x512xf32, #tpu.memory_space<vmem>>, %arg2: memref<8192x256xf32, #tpu.memory_space<vmem>>, %arg3: memref<1x1x512xf32, #tpu.memory_space<vmem>>, %arg4: memref<8192x1xf32, #tpu.memory_space<vmem>>, %arg5: memref<1x1x512xi32, #tpu.memory_space<vmem>>, %arg6: memref<1x1xf32, #tpu.memory_space<vmem>>, %arg7: memref<8192x256xbf16, #tpu.memory_space<vmem>>) attributes {dimension_semantics = [#tpu.dimension_semantics<arbitrary>], iteration_bounds = array<i64: 16>, scalar_prefetch = 0 : i64, scratch_operands = 1 : i64, tpu.core_type = #tpu.core_type<tc>, window_params = [{transform_indices = @transform_0, window_bounds = array<i64: 1, 256, 512>}, {pipeline_mode = #tpu.pipeline_mode<synchronous>, transform_indices = @transform_1, window_bounds = array<i64: 8192, 256>}, {transform_indices = @transform_2, window_bounds = array<i64: 1, 1, 512>}, {pipeline_mode = #tpu.pipeline_mode<synchronous>, transform_indices = @transform_3, window_bounds = array<i64: 8192, 1>}, {transform_indices = @transform_4, window_bounds = array<i64: 1, 1, 512>}, {pipeline_mode = #tpu.pipeline_mode<synchronous>, transform_indices = @transform_5, window_bounds = array<i64: 1, 1>}]} {
    %get3A = arith.constant 0 : index
    %get3A_0 = arith.constant 0 : index
    %get3A_1 = arith.constant 0 : index
    %get3A_2 = vector.load %arg1[%get3A, %get3A_0, %get3A_1] : memref<1x256x512xf32, #tpu.memory_space<vmem>>, vector<1x256x512xf32>
    %get3A_3 = vector.shape_cast %get3A_2 : vector<1x256x512xf32> to vector<256x512xf32>
    %convert_element_type3A = arith.truncf %get3A_3 : vector<256x512xf32> to vector<256x512xbf16>
    %get3A_4 = arith.constant 0 : index
    %get3A_5 = arith.constant 0 : index
    %get3A_6 = arith.constant 0 : index
    %get3A_7 = vector.load %arg3[%get3A_4, %get3A_5, %get3A_6] : memref<1x1x512xf32, #tpu.memory_space<vmem>>, vector<1x1x512xf32>
    %get3A_8 = vector.shape_cast %get3A_7 : vector<1x1x512xf32> to vector<1x512xf32>
    %eq3A = arith.constant 0 : i32
    %eq3A_9 = arith.cmpi eq, %arg0, %eq3A : i32
    %convert_element_type3A_10 = arith.extui %eq3A_9 : i1 to i32
    %cond3A = arith.constant 0 : i32
    %cond3A_11 = arith.cmpi ne, %convert_element_type3A_10, %cond3A : i32
    scf.if %cond3A_11 {
      %get3A_281 = arith.constant 0 : index
      %get3A_282 = arith.constant 0 : index
      %get3A_283 = vector.load %arg2[%get3A_281, %get3A_282] : memref<8192x256xf32, #tpu.memory_space<vmem>>, vector<8192x256xf32>
      %mul3A = arith.constant -2.000000e+00 : f32
      %mul3A_284 = vector.broadcast %mul3A : f32 to vector<8192x256xf32>
      %mul3A_285 = arith.mulf %get3A_283, %mul3A_284 : vector<8192x256xf32>
      %convert_element_type3A_286 = arith.truncf %mul3A_285 : vector<8192x256xf32> to vector<8192x256xbf16>
      %swap3A_287 = arith.constant 0 : index
      %swap3A_288 = arith.constant 0 : index
      %swap3A_289 = vector.load %arg7[%swap3A_287, %swap3A_288] : memref<8192x256xbf16, #tpu.memory_space<vmem>>, vector<8192x256xbf16>
      tpu.vector_store %arg7[%swap3A_287, %swap3A_288], %convert_element_type3A_286 {strides = array<i32>} : memref<8192x256xbf16, #tpu.memory_space<vmem>>, vector<8192x256xbf16>,
    } else {
    }
    %iota3A = tpu.iota {dimensions = array<i32: 0>} : vector<1024x512xi32>
    %convert_element_type3A_12 = arith.sitofp %iota3A : vector<1024x512xi32> to vector<1024x512xf32>
    %broadcast_in_dim3A = arith.constant 0x7F800000 : f32
    %broadcast_in_dim3A_13 = vector.broadcast %broadcast_in_dim3A : f32 to vector<1x512xf32>
    %broadcast_in_dim3A_14 = arith.constant 0 : i32
    %broadcast_in_dim3A_15 = vector.broadcast %broadcast_in_dim3A_14 : i32 to vector<1x512xi32>
    %get3A_16 = arith.constant 0 : index
    %get3A_17 = arith.constant 0 : index
    %get3A_18 = vector.load %arg7[%get3A_16, %get3A_17] : memref<8192x256xbf16, #tpu.memory_space<vmem>>, vector<1024x256xbf16>
    %get3A_19 = arith.constant 0 : index
    %get3A_20 = arith.constant 0 : index
    %get3A_21 = vector.load %arg4[%get3A_19, %get3A_20] : memref<8192x1xf32, #tpu.memory_space<vmem>>, vector<1024x1xf32>
    %dot_general3A = arith.constant dense<0.000000e+00> : vector<1024x512xf32>
    %dot_general3A_22 = tpu.matmul %get3A_18, %convert_element_type3A, %dot_general3A {dimension_numbers = #tpu.dot_dimension_numbers<[1], [0], [0], [1], [0, 0, 1, 1], [], []>, transpose_lhs_hint = false} : vector<1024x256xbf16>, vector<256x512xbf16>, vector<1024x512xf32> -> vector<1024x512xf32>
    %add3A = vector.broadcast %get3A_8 : vector<1x512xf32> to vector<1024x512xf32>
    %add3A_23 = arith.addf %dot_general3A_22, %add3A : vector<1024x512xf32>
    %add3A_24 = vector.broadcast %get3A_21 : vector<1024x1xf32> to vector<1024x512xf32>
    %add3A_25 = arith.addf %add3A_23, %add3A_24 : vector<1024x512xf32>
    %reduce_min3A = arith.constant dense<0x7F800000> : vector<512xf32>
    %reduce_min3A_26 = vector.multi_reduction <minimumf>, %add3A_25, %reduce_min3A [0] : vector<1024x512xf32> to vector<512xf32>
    %broadcast_in_dim3A_27 = vector.shape_cast %reduce_min3A_26 : vector<512xf32> to vector<1x512xf32>
    %eq3A_28 = vector.broadcast %broadcast_in_dim3A_27 : vector<1x512xf32> to vector<1024x512xf32>
    %eq3A_29 = arith.cmpf oeq, %add3A_25, %eq3A_28 : vector<1024x512xf32>
    %jit3A = arith.constant 8.192000e+03 : f32
    %broadcast_in_dim3A_30 = vector.broadcast %jit3A : f32 to vector<1024x512xf32>
    %select_n3A = arith.select %eq3A_29, %convert_element_type3A_12, %broadcast_in_dim3A_30 : vector<1024x512xi1>, vector<1024x512xf32>
    %reduce_min3A_31 = arith.constant dense<0x7F800000> : vector<512xf32>
    %reduce_min3A_32 = vector.multi_reduction <minimumf>, %select_n3A, %reduce_min3A_31 [0] : vector<1024x512xf32> to vector<512xf32>
    %broadcast_in_dim3A_33 = vector.shape_cast %reduce_min3A_32 : vector<512xf32> to vector<1x512xf32>
    %convert_element_type3A_34 = arith.fptosi %broadcast_in_dim3A_33 : vector<1x512xf32> to vector<1x512xi32>
    %add3A_35 = arith.constant 0 : i32
    %add3A_36 = vector.broadcast %add3A_35 : i32 to vector<1x512xi32>
    %add3A_37 = arith.addi %convert_element_type3A_34, %add3A_36 : vector<1x512xi32>
    %lt3A = arith.cmpf olt, %broadcast_in_dim3A_27, %broadcast_in_dim3A_13 : vector<1x512xf32>
    %select_n3A_38 = arith.select %lt3A, %broadcast_in_dim3A_27, %broadcast_in_dim3A_13 : vector<1x512xi1>, vector<1x512xf32>
    %select_n3A_39 = arith.select %lt3A, %add3A_37, %broadcast_in_dim3A_15 : vector<1x512xi1>, vector<1x512xi32>
    %get3A_40 = arith.constant 1024 : index
    %get3A_41 = arith.constant 0 : index
    %get3A_42 = vector.load %arg7[%get3A_40, %get3A_41] : memref<8192x256xbf16, #tpu.memory_space<vmem>>, vector<1024x256xbf16>
    %get3A_43 = arith.constant 1024 : index
    %get3A_44 = arith.constant 0 : index
    %get3A_45 = vector.load %arg4[%get3A_43, %get3A_44] : memref<8192x1xf32, #tpu.memory_space<vmem>>, vector<1024x1xf32>
    %dot_general3A_46 = arith.constant dense<0.000000e+00> : vector<1024x512xf32>
    %dot_general3A_47 = tpu.matmul %get3A_42, %convert_element_type3A, %dot_general3A_46 {dimension_numbers = #tpu.dot_dimension_numbers<[1], [0], [0], [1], [0, 0, 1, 1], [], []>, transpose_lhs_hint = false} : vector<1024x256xbf16>, vector<256x512xbf16>, vector<1024x512xf32> -> vector<1024x512xf32>
    %add3A_48 = vector.broadcast %get3A_8 : vector<1x512xf32> to vector<1024x512xf32>
    %add3A_49 = arith.addf %dot_general3A_47, %add3A_48 : vector<1024x512xf32>
    %add3A_50 = vector.broadcast %get3A_45 : vector<1024x1xf32> to vector<1024x512xf32>
    %add3A_51 = arith.addf %add3A_49, %add3A_50 : vector<1024x512xf32>
    %reduce_min3A_52 = arith.constant dense<0x7F800000> : vector<512xf32>
    %reduce_min3A_53 = vector.multi_reduction <minimumf>, %add3A_51, %reduce_min3A_52 [0] : vector<1024x512xf32> to vector<512xf32>
    %broadcast_in_dim3A_54 = vector.shape_cast %reduce_min3A_53 : vector<512xf32> to vector<1x512xf32>
    %eq3A_55 = vector.broadcast %broadcast_in_dim3A_54 : vector<1x512xf32> to vector<1024x512xf32>
    %eq3A_56 = arith.cmpf oeq, %add3A_51, %eq3A_55 : vector<1024x512xf32>
    %jit3A_57 = arith.constant 8.192000e+03 : f32
    %broadcast_in_dim3A_58 = vector.broadcast %jit3A_57 : f32 to vector<1024x512xf32>
    %select_n3A_59 = arith.select %eq3A_56, %convert_element_type3A_12, %broadcast_in_dim3A_58 : vector<1024x512xi1>, vector<1024x512xf32>
    %reduce_min3A_60 = arith.constant dense<0x7F800000> : vector<512xf32>
    %reduce_min3A_61 = vector.multi_reduction <minimumf>, %select_n3A_59, %reduce_min3A_60 [0] : vector<1024x512xf32> to vector<512xf32>
    %broadcast_in_dim3A_62 = vector.shape_cast %reduce_min3A_61 : vector<512xf32> to vector<1x512xf32>
    %convert_element_type3A_63 = arith.fptosi %broadcast_in_dim3A_62 : vector<1x512xf32> to vector<1x512xi32>
    %add3A_64 = arith.constant 1024 : i32
    %add3A_65 = vector.broadcast %add3A_64 : i32 to vector<1x512xi32>
    %add3A_66 = arith.addi %convert_element_type3A_63, %add3A_65 : vector<1x512xi32>
    %lt3A_67 = arith.cmpf olt, %broadcast_in_dim3A_54, %select_n3A_38 : vector<1x512xf32>
    %select_n3A_68 = arith.select %lt3A_67, %broadcast_in_dim3A_54, %select_n3A_38 : vector<1x512xi1>, vector<1x512xf32>
    %select_n3A_69 = arith.select %lt3A_67, %add3A_66, %select_n3A_39 : vector<1x512xi1>, vector<1x512xi32>
    %get3A_70 = arith.constant 2048 : index
    %get3A_71 = arith.constant 0 : index
    %get3A_72 = vector.load %arg7[%get3A_70, %get3A_71] : memref<8192x256xbf16, #tpu.memory_space<vmem>>, vector<1024x256xbf16>
    %get3A_73 = arith.constant 2048 : index
    %get3A_74 = arith.constant 0 : index
    %get3A_75 = vector.load %arg4[%get3A_73, %get3A_74] : memref<8192x1xf32, #tpu.memory_space<vmem>>, vector<1024x1xf32>
    %dot_general3A_76 = arith.constant dense<0.000000e+00> : vector<1024x512xf32>
    %dot_general3A_77 = tpu.matmul %get3A_72, %convert_element_type3A, %dot_general3A_76 {dimension_numbers = #tpu.dot_dimension_numbers<[1], [0], [0], [1], [0, 0, 1, 1], [], []>, transpose_lhs_hint = false} : vector<1024x256xbf16>, vector<256x512xbf16>, vector<1024x512xf32> -> vector<1024x512xf32>
    %add3A_78 = vector.broadcast %get3A_8 : vector<1x512xf32> to vector<1024x512xf32>
    %add3A_79 = arith.addf %dot_general3A_77, %add3A_78 : vector<1024x512xf32>
    %add3A_80 = vector.broadcast %get3A_75 : vector<1024x1xf32> to vector<1024x512xf32>
    %add3A_81 = arith.addf %add3A_79, %add3A_80 : vector<1024x512xf32>
    %reduce_min3A_82 = arith.constant dense<0x7F800000> : vector<512xf32>
    %reduce_min3A_83 = vector.multi_reduction <minimumf>, %add3A_81, %reduce_min3A_82 [0] : vector<1024x512xf32> to vector<512xf32>
    %broadcast_in_dim3A_84 = vector.shape_cast %reduce_min3A_83 : vector<512xf32> to vector<1x512xf32>
    %eq3A_85 = vector.broadcast %broadcast_in_dim3A_84 : vector<1x512xf32> to vector<1024x512xf32>
    %eq3A_86 = arith.cmpf oeq, %add3A_81, %eq3A_85 : vector<1024x512xf32>
    %jit3A_87 = arith.constant 8.192000e+03 : f32
    %broadcast_in_dim3A_88 = vector.broadcast %jit3A_87 : f32 to vector<1024x512xf32>
    %select_n3A_89 = arith.select %eq3A_86, %convert_element_type3A_12, %broadcast_in_dim3A_88 : vector<1024x512xi1>, vector<1024x512xf32>
    %reduce_min3A_90 = arith.constant dense<0x7F800000> : vector<512xf32>
    %reduce_min3A_91 = vector.multi_reduction <minimumf>, %select_n3A_89, %reduce_min3A_90 [0] : vector<1024x512xf32> to vector<512xf32>
    %broadcast_in_dim3A_92 = vector.shape_cast %reduce_min3A_91 : vector<512xf32> to vector<1x512xf32>
    %convert_element_type3A_93 = arith.fptosi %broadcast_in_dim3A_92 : vector<1x512xf32> to vector<1x512xi32>
    %add3A_94 = arith.constant 2048 : i32
    %add3A_95 = vector.broadcast %add3A_94 : i32 to vector<1x512xi32>
    %add3A_96 = arith.addi %convert_element_type3A_93, %add3A_95 : vector<1x512xi32>
    %lt3A_97 = arith.cmpf olt, %broadcast_in_dim3A_84, %select_n3A_68 : vector<1x512xf32>
    %select_n3A_98 = arith.select %lt3A_97, %broadcast_in_dim3A_84, %select_n3A_68 : vector<1x512xi1>, vector<1x512xf32>
    %select_n3A_99 = arith.select %lt3A_97, %add3A_96, %select_n3A_69 : vector<1x512xi1>, vector<1x512xi32>
    %get3A_100 = arith.constant 3072 : index
    %get3A_101 = arith.constant 0 : index
    %get3A_102 = vector.load %arg7[%get3A_100, %get3A_101] : memref<8192x256xbf16, #tpu.memory_space<vmem>>, vector<1024x256xbf16>
    %get3A_103 = arith.constant 3072 : index
    %get3A_104 = arith.constant 0 : index
    %get3A_105 = vector.load %arg4[%get3A_103, %get3A_104] : memref<8192x1xf32, #tpu.memory_space<vmem>>, vector<1024x1xf32>
    %dot_general3A_106 = arith.constant dense<0.000000e+00> : vector<1024x512xf32>
    %dot_general3A_107 = tpu.matmul %get3A_102, %convert_element_type3A, %dot_general3A_106 {dimension_numbers = #tpu.dot_dimension_numbers<[1], [0], [0], [1], [0, 0, 1, 1], [], []>, transpose_lhs_hint = false} : vector<1024x256xbf16>, vector<256x512xbf16>, vector<1024x512xf32> -> vector<1024x512xf32>
    %add3A_108 = vector.broadcast %get3A_8 : vector<1x512xf32> to vector<1024x512xf32>
    %add3A_109 = arith.addf %dot_general3A_107, %add3A_108 : vector<1024x512xf32>
    %add3A_110 = vector.broadcast %get3A_105 : vector<1024x1xf32> to vector<1024x512xf32>
    %add3A_111 = arith.addf %add3A_109, %add3A_110 : vector<1024x512xf32>
    %reduce_min3A_112 = arith.constant dense<0x7F800000> : vector<512xf32>
    %reduce_min3A_113 = vector.multi_reduction <minimumf>, %add3A_111, %reduce_min3A_112 [0] : vector<1024x512xf32> to vector<512xf32>
    %broadcast_in_dim3A_114 = vector.shape_cast %reduce_min3A_113 : vector<512xf32> to vector<1x512xf32>
    %eq3A_115 = vector.broadcast %broadcast_in_dim3A_114 : vector<1x512xf32> to vector<1024x512xf32>
    %eq3A_116 = arith.cmpf oeq, %add3A_111, %eq3A_115 : vector<1024x512xf32>
    %jit3A_117 = arith.constant 8.192000e+03 : f32
    %broadcast_in_dim3A_118 = vector.broadcast %jit3A_117 : f32 to vector<1024x512xf32>
    %select_n3A_119 = arith.select %eq3A_116, %convert_element_type3A_12, %broadcast_in_dim3A_118 : vector<1024x512xi1>, vector<1024x512xf32>
    %reduce_min3A_120 = arith.constant dense<0x7F800000> : vector<512xf32>
    %reduce_min3A_121 = vector.multi_reduction <minimumf>, %select_n3A_119, %reduce_min3A_120 [0] : vector<1024x512xf32> to vector<512xf32>
    %broadcast_in_dim3A_122 = vector.shape_cast %reduce_min3A_121 : vector<512xf32> to vector<1x512xf32>
    %convert_element_type3A_123 = arith.fptosi %broadcast_in_dim3A_122 : vector<1x512xf32> to vector<1x512xi32>
    %add3A_124 = arith.constant 3072 : i32
    %add3A_125 = vector.broadcast %add3A_124 : i32 to vector<1x512xi32>
    %add3A_126 = arith.addi %convert_element_type3A_123, %add3A_125 : vector<1x512xi32>
    %lt3A_127 = arith.cmpf olt, %broadcast_in_dim3A_114, %select_n3A_98 : vector<1x512xf32>
    %select_n3A_128 = arith.select %lt3A_127, %broadcast_in_dim3A_114, %select_n3A_98 : vector<1x512xi1>, vector<1x512xf32>
    %select_n3A_129 = arith.select %lt3A_127, %add3A_126, %select_n3A_99 : vector<1x512xi1>, vector<1x512xi32>
    %broadcast_in_dim3A_130 = arith.constant 0x7F800000 : f32
    %broadcast_in_dim3A_131 = vector.broadcast %broadcast_in_dim3A_130 : f32 to vector<1x512xf32>
    %broadcast_in_dim3A_132 = arith.constant 0 : i32
    %broadcast_in_dim3A_133 = vector.broadcast %broadcast_in_dim3A_132 : i32 to vector<1x512xi32>
    %get3A_134 = arith.constant 4096 : index
    %get3A_135 = arith.constant 0 : index
    %get3A_136 = vector.load %arg7[%get3A_134, %get3A_135] : memref<8192x256xbf16, #tpu.memory_space<vmem>>, vector<1024x256xbf16>
    %get3A_137 = arith.constant 4096 : index
    %get3A_138 = arith.constant 0 : index
    %get3A_139 = vector.load %arg4[%get3A_137, %get3A_138] : memref<8192x1xf32, #tpu.memory_space<vmem>>, vector<1024x1xf32>
    %dot_general3A_140 = arith.constant dense<0.000000e+00> : vector<1024x512xf32>
    %dot_general3A_141 = tpu.matmul %get3A_136, %convert_element_type3A, %dot_general3A_140 {dimension_numbers = #tpu.dot_dimension_numbers<[1], [0], [0], [1], [0, 0, 1, 1], [], []>, transpose_lhs_hint = false} : vector<1024x256xbf16>, vector<256x512xbf16>, vector<1024x512xf32> -> vector<1024x512xf32>
    %add3A_142 = vector.broadcast %get3A_8 : vector<1x512xf32> to vector<1024x512xf32>
    %add3A_143 = arith.addf %dot_general3A_141, %add3A_142 : vector<1024x512xf32>
    %add3A_144 = vector.broadcast %get3A_139 : vector<1024x1xf32> to vector<1024x512xf32>
    %add3A_145 = arith.addf %add3A_143, %add3A_144 : vector<1024x512xf32>
    %reduce_min3A_146 = arith.constant dense<0x7F800000> : vector<512xf32>
    %reduce_min3A_147 = vector.multi_reduction <minimumf>, %add3A_145, %reduce_min3A_146 [0] : vector<1024x512xf32> to vector<512xf32>
    %broadcast_in_dim3A_148 = vector.shape_cast %reduce_min3A_147 : vector<512xf32> to vector<1x512xf32>
    %eq3A_149 = vector.broadcast %broadcast_in_dim3A_148 : vector<1x512xf32> to vector<1024x512xf32>
    %eq3A_150 = arith.cmpf oeq, %add3A_145, %eq3A_149 : vector<1024x512xf32>
    %jit3A_151 = arith.constant 8.192000e+03 : f32
    %broadcast_in_dim3A_152 = vector.broadcast %jit3A_151 : f32 to vector<1024x512xf32>
    %select_n3A_153 = arith.select %eq3A_150, %convert_element_type3A_12, %broadcast_in_dim3A_152 : vector<1024x512xi1>, vector<1024x512xf32>
    %reduce_min3A_154 = arith.constant dense<0x7F800000> : vector<512xf32>
    %reduce_min3A_155 = vector.multi_reduction <minimumf>, %select_n3A_153, %reduce_min3A_154 [0] : vector<1024x512xf32> to vector<512xf32>
    %broadcast_in_dim3A_156 = vector.shape_cast %reduce_min3A_155 : vector<512xf32> to vector<1x512xf32>
    %convert_element_type3A_157 = arith.fptosi %broadcast_in_dim3A_156 : vector<1x512xf32> to vector<1x512xi32>
    %add3A_158 = arith.constant 4096 : i32
    %add3A_159 = vector.broadcast %add3A_158 : i32 to vector<1x512xi32>
    %add3A_160 = arith.addi %convert_element_type3A_157, %add3A_159 : vector<1x512xi32>
    %lt3A_161 = arith.cmpf olt, %broadcast_in_dim3A_148, %broadcast_in_dim3A_131 : vector<1x512xf32>
    %select_n3A_162 = arith.select %lt3A_161, %broadcast_in_dim3A_148, %broadcast_in_dim3A_131 : vector<1x512xi1>, vector<1x512xf32>
    %select_n3A_163 = arith.select %lt3A_161, %add3A_160, %broadcast_in_dim3A_133 : vector<1x512xi1>, vector<1x512xi32>
    %get3A_164 = arith.constant 5120 : index
    %get3A_165 = arith.constant 0 : index
    %get3A_166 = vector.load %arg7[%get3A_164, %get3A_165] : memref<8192x256xbf16, #tpu.memory_space<vmem>>, vector<1024x256xbf16>
    %get3A_167 = arith.constant 5120 : index
    %get3A_168 = arith.constant 0 : index
    %get3A_169 = vector.load %arg4[%get3A_167, %get3A_168] : memref<8192x1xf32, #tpu.memory_space<vmem>>, vector<1024x1xf32>
    %dot_general3A_170 = arith.constant dense<0.000000e+00> : vector<1024x512xf32>
    %dot_general3A_171 = tpu.matmul %get3A_166, %convert_element_type3A, %dot_general3A_170 {dimension_numbers = #tpu.dot_dimension_numbers<[1], [0], [0], [1], [0, 0, 1, 1], [], []>, transpose_lhs_hint = false} : vector<1024x256xbf16>, vector<256x512xbf16>, vector<1024x512xf32> -> vector<1024x512xf32>
    %add3A_172 = vector.broadcast %get3A_8 : vector<1x512xf32> to vector<1024x512xf32>
    %add3A_173 = arith.addf %dot_general3A_171, %add3A_172 : vector<1024x512xf32>
    %add3A_174 = vector.broadcast %get3A_169 : vector<1024x1xf32> to vector<1024x512xf32>
    %add3A_175 = arith.addf %add3A_173, %add3A_174 : vector<1024x512xf32>
    %reduce_min3A_176 = arith.constant dense<0x7F800000> : vector<512xf32>
    %reduce_min3A_177 = vector.multi_reduction <minimumf>, %add3A_175, %reduce_min3A_176 [0] : vector<1024x512xf32> to vector<512xf32>
    %broadcast_in_dim3A_178 = vector.shape_cast %reduce_min3A_177 : vector<512xf32> to vector<1x512xf32>
    %eq3A_179 = vector.broadcast %broadcast_in_dim3A_178 : vector<1x512xf32> to vector<1024x512xf32>
    %eq3A_180 = arith.cmpf oeq, %add3A_175, %eq3A_179 : vector<1024x512xf32>
    %jit3A_181 = arith.constant 8.192000e+03 : f32
    %broadcast_in_dim3A_182 = vector.broadcast %jit3A_181 : f32 to vector<1024x512xf32>
    %select_n3A_183 = arith.select %eq3A_180, %convert_element_type3A_12, %broadcast_in_dim3A_182 : vector<1024x512xi1>, vector<1024x512xf32>
    %reduce_min3A_184 = arith.constant dense<0x7F800000> : vector<512xf32>
    %reduce_min3A_185 = vector.multi_reduction <minimumf>, %select_n3A_183, %reduce_min3A_184 [0] : vector<1024x512xf32> to vector<512xf32>
    %broadcast_in_dim3A_186 = vector.shape_cast %reduce_min3A_185 : vector<512xf32> to vector<1x512xf32>
    %convert_element_type3A_187 = arith.fptosi %broadcast_in_dim3A_186 : vector<1x512xf32> to vector<1x512xi32>
    %add3A_188 = arith.constant 5120 : i32
    %add3A_189 = vector.broadcast %add3A_188 : i32 to vector<1x512xi32>
    %add3A_190 = arith.addi %convert_element_type3A_187, %add3A_189 : vector<1x512xi32>
    %lt3A_191 = arith.cmpf olt, %broadcast_in_dim3A_178, %select_n3A_162 : vector<1x512xf32>
    %select_n3A_192 = arith.select %lt3A_191, %broadcast_in_dim3A_178, %select_n3A_162 : vector<1x512xi1>, vector<1x512xf32>
    %select_n3A_193 = arith.select %lt3A_191, %add3A_190, %select_n3A_163 : vector<1x512xi1>, vector<1x512xi32>
    %get3A_194 = arith.constant 6144 : index
    %get3A_195 = arith.constant 0 : index
    %get3A_196 = vector.load %arg7[%get3A_194, %get3A_195] : memref<8192x256xbf16, #tpu.memory_space<vmem>>, vector<1024x256xbf16>
    %get3A_197 = arith.constant 6144 : index
    %get3A_198 = arith.constant 0 : index
    %get3A_199 = vector.load %arg4[%get3A_197, %get3A_198] : memref<8192x1xf32, #tpu.memory_space<vmem>>, vector<1024x1xf32>
    %dot_general3A_200 = arith.constant dense<0.000000e+00> : vector<1024x512xf32>
    %dot_general3A_201 = tpu.matmul %get3A_196, %convert_element_type3A, %dot_general3A_200 {dimension_numbers = #tpu.dot_dimension_numbers<[1], [0], [0], [1], [0, 0, 1, 1], [], []>, transpose_lhs_hint = false} : vector<1024x256xbf16>, vector<256x512xbf16>, vector<1024x512xf32> -> vector<1024x512xf32>
    %add3A_202 = vector.broadcast %get3A_8 : vector<1x512xf32> to vector<1024x512xf32>
    %add3A_203 = arith.addf %dot_general3A_201, %add3A_202 : vector<1024x512xf32>
    %add3A_204 = vector.broadcast %get3A_199 : vector<1024x1xf32> to vector<1024x512xf32>
    %add3A_205 = arith.addf %add3A_203, %add3A_204 : vector<1024x512xf32>
    %reduce_min3A_206 = arith.constant dense<0x7F800000> : vector<512xf32>
    %reduce_min3A_207 = vector.multi_reduction <minimumf>, %add3A_205, %reduce_min3A_206 [0] : vector<1024x512xf32> to vector<512xf32>
    %broadcast_in_dim3A_208 = vector.shape_cast %reduce_min3A_207 : vector<512xf32> to vector<1x512xf32>
    %eq3A_209 = vector.broadcast %broadcast_in_dim3A_208 : vector<1x512xf32> to vector<1024x512xf32>
    %eq3A_210 = arith.cmpf oeq, %add3A_205, %eq3A_209 : vector<1024x512xf32>
    %jit3A_211 = arith.constant 8.192000e+03 : f32
    %broadcast_in_dim3A_212 = vector.broadcast %jit3A_211 : f32 to vector<1024x512xf32>
    %select_n3A_213 = arith.select %eq3A_210, %convert_element_type3A_12, %broadcast_in_dim3A_212 : vector<1024x512xi1>, vector<1024x512xf32>
    %reduce_min3A_214 = arith.constant dense<0x7F800000> : vector<512xf32>
    %reduce_min3A_215 = vector.multi_reduction <minimumf>, %select_n3A_213, %reduce_min3A_214 [0] : vector<1024x512xf32> to vector<512xf32>
    %broadcast_in_dim3A_216 = vector.shape_cast %reduce_min3A_215 : vector<512xf32> to vector<1x512xf32>
    %convert_element_type3A_217 = arith.fptosi %broadcast_in_dim3A_216 : vector<1x512xf32> to vector<1x512xi32>
    %add3A_218 = arith.constant 6144 : i32
    %add3A_219 = vector.broadcast %add3A_218 : i32 to vector<1x512xi32>
    %add3A_220 = arith.addi %convert_element_type3A_217, %add3A_219 : vector<1x512xi32>
    %lt3A_221 = arith.cmpf olt, %broadcast_in_dim3A_208, %select_n3A_192 : vector<1x512xf32>
    %select_n3A_222 = arith.select %lt3A_221, %broadcast_in_dim3A_208, %select_n3A_192 : vector<1x512xi1>, vector<1x512xf32>
    %select_n3A_223 = arith.select %lt3A_221, %add3A_220, %select_n3A_193 : vector<1x512xi1>, vector<1x512xi32>
    %get3A_224 = arith.constant 7168 : index
    %get3A_225 = arith.constant 0 : index
    %get3A_226 = vector.load %arg7[%get3A_224, %get3A_225] : memref<8192x256xbf16, #tpu.memory_space<vmem>>, vector<1024x256xbf16>
    %get3A_227 = arith.constant 7168 : index
    %get3A_228 = arith.constant 0 : index
    %get3A_229 = vector.load %arg4[%get3A_227, %get3A_228] : memref<8192x1xf32, #tpu.memory_space<vmem>>, vector<1024x1xf32>
    %dot_general3A_230 = arith.constant dense<0.000000e+00> : vector<1024x512xf32>
    %dot_general3A_231 = tpu.matmul %get3A_226, %convert_element_type3A, %dot_general3A_230 {dimension_numbers = #tpu.dot_dimension_numbers<[1], [0], [0], [1], [0, 0, 1, 1], [], []>, transpose_lhs_hint = false} : vector<1024x256xbf16>, vector<256x512xbf16>, vector<1024x512xf32> -> vector<1024x512xf32>
    %add3A_232 = vector.broadcast %get3A_8 : vector<1x512xf32> to vector<1024x512xf32>
    %add3A_233 = arith.addf %dot_general3A_231, %add3A_232 : vector<1024x512xf32>
    %add3A_234 = vector.broadcast %get3A_229 : vector<1024x1xf32> to vector<1024x512xf32>
    %add3A_235 = arith.addf %add3A_233, %add3A_234 : vector<1024x512xf32>
    %reduce_min3A_236 = arith.constant dense<0x7F800000> : vector<512xf32>
    %reduce_min3A_237 = vector.multi_reduction <minimumf>, %add3A_235, %reduce_min3A_236 [0] : vector<1024x512xf32> to vector<512xf32>
    %broadcast_in_dim3A_238 = vector.shape_cast %reduce_min3A_237 : vector<512xf32> to vector<1x512xf32>
    %eq3A_239 = vector.broadcast %broadcast_in_dim3A_238 : vector<1x512xf32> to vector<1024x512xf32>
    %eq3A_240 = arith.cmpf oeq, %add3A_235, %eq3A_239 : vector<1024x512xf32>
    %jit3A_241 = arith.constant 8.192000e+03 : f32
    %broadcast_in_dim3A_242 = vector.broadcast %jit3A_241 : f32 to vector<1024x512xf32>
    %select_n3A_243 = arith.select %eq3A_240, %convert_element_type3A_12, %broadcast_in_dim3A_242 : vector<1024x512xi1>, vector<1024x512xf32>
    %reduce_min3A_244 = arith.constant dense<0x7F800000> : vector<512xf32>
    %reduce_min3A_245 = vector.multi_reduction <minimumf>, %select_n3A_243, %reduce_min3A_244 [0] : vector<1024x512xf32> to vector<512xf32>
    %broadcast_in_dim3A_246 = vector.shape_cast %reduce_min3A_245 : vector<512xf32> to vector<1x512xf32>
    %convert_element_type3A_247 = arith.fptosi %broadcast_in_dim3A_246 : vector<1x512xf32> to vector<1x512xi32>
    %add3A_248 = arith.constant 7168 : i32
    %add3A_249 = vector.broadcast %add3A_248 : i32 to vector<1x512xi32>
    %add3A_250 = arith.addi %convert_element_type3A_247, %add3A_249 : vector<1x512xi32>
    %lt3A_251 = arith.cmpf olt, %broadcast_in_dim3A_238, %select_n3A_222 : vector<1x512xf32>
    %select_n3A_252 = arith.select %lt3A_251, %broadcast_in_dim3A_238, %select_n3A_222 : vector<1x512xi1>, vector<1x512xf32>
    %select_n3A_253 = arith.select %lt3A_251, %add3A_250, %select_n3A_223 : vector<1x512xi1>, vector<1x512xi32>
    %convert_element_type3A_254 = arith.truncf %select_n3A_128 : vector<1x512xf32> to vector<1x512xbf16>
    %convert_element_type3A_255 = arith.extf %convert_element_type3A_254 : vector<1x512xbf16> to vector<1x512xf32>
    %lt3A_256 = arith.cmpf olt, %select_n3A_252, %convert_element_type3A_255 : vector<1x512xf32>
    %select_n3A_257 = arith.select %lt3A_256, %select_n3A_252, %select_n3A_128 : vector<1x512xi1>, vector<1x512xf32>
    %select_n3A_258 = arith.select %lt3A_256, %select_n3A_253, %select_n3A_129 : vector<1x512xi1>, vector<1x512xi32>
    %swap3A = arith.constant 0 : index
    %swap3A_259 = arith.constant 0 : index
    %swap3A_260 = arith.constant 0 : index
    %swap3A_261 = vector.load %arg5[%swap3A, %swap3A_259, %swap3A_260] : memref<1x1x512xi32, #tpu.memory_space<vmem>>, vector<1x1x512xi32>
    %swap3A_262 = vector.shape_cast %swap3A_261 : vector<1x1x512xi32> to vector<1x512xi32>
    %swap3A_263 = vector.shape_cast %select_n3A_258 : vector<1x512xi32> to vector<1x1x512xi32>
    tpu.vector_store %arg5[%swap3A, %swap3A_259, %swap3A_260], %swap3A_263 {strides = array<i32>} : memref<1x1x512xi32, #tpu.memory_space<vmem>>, vector<1x1x512xi32>,
    %eq3A_264 = arith.constant 0 : i32
    %eq3A_265 = arith.cmpi eq, %arg0, %eq3A_264 : i32
    %convert_element_type3A_266 = arith.extui %eq3A_265 : i1 to i32
    %cond3A_267 = arith.constant 0 : i32
    %cond3A_268 = arith.cmpi ne, %convert_element_type3A_266, %cond3A_267 : i32
    scf.if %cond3A_268 {
      %broadcast_in_dim3A_281 = arith.constant 0.000000e+00 : f32
      %broadcast_in_dim3A_282 = vector.broadcast %broadcast_in_dim3A_281 : f32 to vector<1x1xf32>
      %swap3A_283 = arith.constant 0 : index
      %swap3A_284 = arith.constant 0 : index
      %swap3A_285 = vector.load %arg6[%swap3A_283, %swap3A_284] : memref<1x1xf32, #tpu.memory_space<vmem>>, vector<1x1xf32>
      tpu.vector_store %arg6[%swap3A_283, %swap3A_284], %broadcast_in_dim3A_282 {strides = array<i32>} : memref<1x1xf32, #tpu.memory_space<vmem>>, vector<1x1xf32>,
    } else {
    }
    %get3A_269 = arith.constant 0 : index
    %get3A_270 = arith.constant 0 : index
    %get3A_271 = vector.load %arg6[%get3A_269, %get3A_270] : memref<1x1xf32, #tpu.memory_space<vmem>>, vector<1x1xf32>
    %reduce_sum3A = vector.shape_cast %select_n3A_257 : vector<1x512xf32> to vector<1x1x512xf32>
    %reduce_sum3A_272 = arith.constant dense<0.000000e+00> : vector<1xf32>
    %reduce_sum3A_273 = vector.multi_reduction <add>, %reduce_sum3A, %reduce_sum3A_272 [1, 2] : vector<1x1x512xf32> to vector<1xf32>
    %reduce_sum3A_274 = vector.shape_cast %reduce_sum3A_273 : vector<1xf32> to vector<1x1x1xf32>
    %reduce_sum3A_275 = vector.extract %reduce_sum3A_274[0, 0, 0] : f32 from vector<1x1x1xf32>
    %broadcast_in_dim3A_276 = vector.broadcast %reduce_sum3A_275 : f32 to vector<1x1xf32>
    %add3A_277 = arith.addf %get3A_271, %broadcast_in_dim3A_276 : vector<1x1xf32>
    %swap3A_278 = arith.constant 0 : index
    %swap3A_279 = arith.constant 0 : index
    %swap3A_280 = vector.load %arg6[%swap3A_278, %swap3A_279] : memref<1x1xf32, #tpu.memory_space<vmem>>, vector<1x1xf32>
    tpu.vector_store %arg6[%swap3A_278, %swap3A_279], %add3A_277 {strides = array<i32>} : memref<1x1xf32, #tpu.memory_space<vmem>>, vector<1x1xf32>,
    return
  }
  func.func @transform_0(%arg0: i32) -> (i32, i32, i32) {
    %c0_i32 = arith.constant 0 : i32
    %c0_i32_0 = arith.constant 0 : i32
    %c0_i32_1 = arith.constant 0 : i32
    return %arg0, %c0_i32, %c0_i32_0 : i32, i32, i32
  }
  func.func @transform_1(%arg0: i32) -> (i32, i32) {
    %c0_i32 = arith.constant 0 : i32
    %c0_i32_0 = arith.constant 0 : i32
    %c0_i32_1 = arith.constant 0 : i32
    return %c0_i32, %c0_i32_0 : i32, i32
  }
  func.func @transform_2(%arg0: i32) -> (i32, i32, i32) {
    %c0_i32 = arith.constant 0 : i32
    %c0_i32_0 = arith.constant 0 : i32
    %c0_i32_1 = arith.constant 0 : i32
    return %arg0, %c0_i32, %c0_i32_0 : i32, i32, i32
  }
  func.func @transform_3(%arg0: i32) -> (i32, i32) {
    %c0_i32 = arith.constant 0 : i32
    %c0_i32_0 = arith.constant 0 : i32
    %c0_i32_1 = arith.constant 0 : i32
    return %c0_i32, %c0_i32_0 : i32, i32
  }
  func.func @transform_4(%arg0: i32) -> (i32, i32, i32) {
    %c0_i32 = arith.constant 0 : i32
    %c0_i32_0 = arith.constant 0 : i32
    %c0_i32_1 = arith.constant 0 : i32
    return %arg0, %c0_i32, %c0_i32_0 : i32, i32, i32
  }
  func.func @transform_5(%arg0: i32) -> (i32, i32) {
    %c0_i32 = arith.constant 0 : i32
    %c0_i32_0 = arith.constant 0 : i32
    %c0_i32_1 = arith.constant 0 : i32
    return %c0_i32, %c0_i32_0 : i32, i32
  }
}

module attributes {stable_mosaic.version = 14 : i64} {
  func.func @_finalize_body(%arg0: memref<2x64x128xf32, #tpu.memory_space<vmem>>, %arg1: memref<1x1xf32, #tpu.memory_space<vmem>>, %arg2: memref<1x1xf32, #tpu.memory_space<vmem>>, %arg3: memref<1x1xf32, #tpu.memory_space<vmem>>) attributes {dimension_semantics = [], scalar_prefetch = 0 : i64, scratch_operands = 0 : i64, tpu.core_type = #tpu.core_type<tc>} {
    %get3A = arith.constant 0 : index
    %get3A_0 = arith.constant 0 : index
    %get3A_1 = arith.constant 0 : index
    %get3A_2 = vector.load %arg0[%get3A, %get3A_0, %get3A_1] : memref<2x64x128xf32, #tpu.memory_space<vmem>>, vector<1x64x128xf32>
    %get3A_3 = vector.shape_cast %get3A_2 : vector<1x64x128xf32> to vector<64x128xf32>
    %get3A_4 = arith.constant 1 : index
    %get3A_5 = arith.constant 0 : index
    %get3A_6 = arith.constant 0 : index
    %get3A_7 = vector.load %arg0[%get3A_4, %get3A_5, %get3A_6] : memref<2x64x128xf32, #tpu.memory_space<vmem>>, vector<1x64x128xf32>
    %get3A_8 = vector.shape_cast %get3A_7 : vector<1x64x128xf32> to vector<64x128xf32>
    %add3A = arith.addf %get3A_3, %get3A_8 : vector<64x128xf32>
    %reduce_sum3A = vector.shape_cast %add3A : vector<64x128xf32> to vector<1x64x128xf32>
    %reduce_sum3A_9 = arith.constant dense<0.000000e+00> : vector<1xf32>
    %reduce_sum3A_10 = vector.multi_reduction <add>, %reduce_sum3A, %reduce_sum3A_9 [1, 2] : vector<1x64x128xf32> to vector<1xf32>
    %reduce_sum3A_11 = vector.shape_cast %reduce_sum3A_10 : vector<1xf32> to vector<1x1x1xf32>
    %reduce_sum3A_12 = vector.extract %reduce_sum3A_11[0, 0, 0] : f32 from vector<1x1x1xf32>
    %div3A = vector.broadcast %reduce_sum3A_12 : f32 to vector<64x128xf32>
    %div3A_13 = arith.divf %add3A, %div3A : vector<64x128xf32>
    %add3A_14 = arith.constant 1.000000e-07 : f32
    %add3A_15 = vector.broadcast %add3A_14 : f32 to vector<64x128xf32>
    %add3A_16 = arith.addf %div3A_13, %add3A_15 : vector<64x128xf32>
    %log3A = math.log %add3A_16 : vector<64x128xf32>
    %mul3A = arith.mulf %div3A_13, %log3A : vector<64x128xf32>
    %reduce_sum3A_17 = vector.shape_cast %mul3A : vector<64x128xf32> to vector<1x64x128xf32>
    %reduce_sum3A_18 = arith.constant dense<0.000000e+00> : vector<1xf32>
    %reduce_sum3A_19 = vector.multi_reduction <add>, %reduce_sum3A_17, %reduce_sum3A_18 [1, 2] : vector<1x64x128xf32> to vector<1xf32>
    %reduce_sum3A_20 = vector.shape_cast %reduce_sum3A_19 : vector<1xf32> to vector<1x1x1xf32>
    %reduce_sum3A_21 = vector.extract %reduce_sum3A_20[0, 0, 0] : f32 from vector<1x1x1xf32>
    %broadcast_in_dim3A = vector.broadcast %reduce_sum3A_21 : f32 to vector<1x1xf32>
    %neg3A = arith.constant 0.000000e+00 : f32
    %neg3A_22 = vector.broadcast %neg3A : f32 to vector<1x1xf32>
    %neg3A_23 = arith.subf %neg3A_22, %broadcast_in_dim3A : vector<1x1xf32>
    %exp3A = math.exp %neg3A_23 : vector<1x1xf32>
    %swap3A = arith.constant 0 : index
    %swap3A_24 = arith.constant 0 : index
    %swap3A_25 = vector.load %arg2[%swap3A, %swap3A_24] : memref<1x1xf32, #tpu.memory_space<vmem>>, vector<1x1xf32>
    tpu.vector_store %arg2[%swap3A, %swap3A_24], %exp3A {strides = array<i32>} : memref<1x1xf32, #tpu.memory_space<vmem>>, vector<1x1xf32>,
    %get3A_26 = arith.constant 0 : index
    %get3A_27 = arith.constant 0 : index
    %get3A_28 = vector.load %arg1[%get3A_26, %get3A_27] : memref<1x1xf32, #tpu.memory_space<vmem>>, vector<1x1xf32>
    %div3A_29 = arith.constant 0x4A000000 : f32
    %div3A_30 = vector.broadcast %div3A_29 : f32 to vector<1x1xf32>
    %div3A_31 = arith.divf %get3A_28, %div3A_30 : vector<1x1xf32>
    %swap3A_32 = arith.constant 0 : index
    %swap3A_33 = arith.constant 0 : index
    %swap3A_34 = vector.load %arg3[%swap3A_32, %swap3A_33] : memref<1x1xf32, #tpu.memory_space<vmem>>, vector<1x1xf32>
    tpu.vector_store %arg3[%swap3A_32, %swap3A_33], %div3A_31 {strides = array<i32>} : memref<1x1xf32, #tpu.memory_space<vmem>>, vector<1x1xf32>,
    return
  }
}

</mosaic_0001>

<sc_bundles>
// kernel: kernel.5.cloned.1.call-start
scs
__scs_entry_jumppad:
0x0: {  	(pc) =	sbr.rel $0x88, $3  }
0x1: {  	(tag) =	ssettag $0x0;
	lr =	simm.s32 $0x1  }
0x2: {  	[smem:$0x3F9F] =	sst lr;
	_ =	strace $0xD0000000  }
0x3: {  	_ = 	snop  }
0x4: {  	_ = 	snop  }
0x5: {  	_ = 	snop  }
0x6: {  	_ = 	snop  }
0x7: {  	_ = 	snop  }
__scs_overlays_trampoline_lowered:
0x8: {  	[smem:$0x3FAE] =	sst s0  }
0x9: {  	[smem:$0x3FAF] =	sst s1  }
0xa: {  	[smem:$0x3FB0] =	sst s2  }
0xb: {  	[smem:$0x3FB1] =	sst s3  }
0xc: {  	[smem:$0x3FB2] =	sst s4  }
0xd: {  	[smem:$0x3FB3] =	sst s5  }
0xe: {  	[smem:$0x3FB4] =	sst s6  }
0xf: {  	[smem:$0x3FB5] =	sst s7  }
0x10: {  	[smem:$0x3FB6] =	sst s8  }
0x11: {  	[smem:$0x3FB7] =	sst s9;
	s0 =	simm.s32 @!p0 $0x0  }
0x12: {  	s1 =	sld [smem:$0x3F9D];
	s0 =	simm.s32 @p0 $0x1  }
0x13: {  	[smem:$0x3FB8] =	sst s0;
	s0 =	simm.s32 @!p1 $0x0  }
0x14: {  	s2 =	sld [smem:$0x3F9C];
	s0 =	simm.s32 @p1 $0x1  }
0x15: {  	[smem:$0x3FB9] =	sst s0;
	s0 =	simm.s32 @!p2 $0x0  }
0x16: {  	s3 =	sld [smem:$0x3FDB];
	s0 =	simm.s32 @p2 $0x1  }
0x17: {  	s4 =	simm.s32 $0x1BF5;
	[smem:$0x3FBB] =	sst s0  }
0x18: {  	s0 =	sld [smem:$0x3F9E];
	_ =	swait.ge [sflag:s4], $0x0  }
0x19: {  	s7 =	sld [smem:$0x3F9F]  }
0x1a: {  	s8 =	sadd.s32 $0xFFFFE003, lr  }
0x1b: {  	s9 =	sadd.s32 $0xFFFFFEF7, lr;
	s5 =	simm.s32 $0xFFFFFFFF;
	p2 =	slt.u32 s8, $0xFFFFF086  }
0x1c: {  	p1 =	slt.u32 s9, $0xF7A;
	s5 =	simm.s32 @!p2 $0x0  }
0x1d: {  	s5 =	simm.s32 @p1 $0x1;
	p0 =	seq.s32 s7, s2  }
0x1e: {  	s7 =	smul.u32 @!p0 $0xF7A, s2;
	p2 =	seq.s32 @!p0 s5, $0x0  }
0x1f: {  	s9 =	smul.u32 $0xF7A, s1;
	s8 =	simm.s32 @!p0 $0x1BF5;
	p2 =	por !p2, p0  }
0x20: {  	[sflag:s8] =	ssyncset.s32 @!p0 $0xFFFFF086;
	s6 =	sadd.s32 @!p0 s3, s7;
	s7 =	simm.s32 @!p0 $0x108  }
0x21: {  	s3 =	sadd.s32 s3, s9;
	s6 =	sadd.s32 @!p0 $0x88, s6;
	s7 =	simm.s32 @p2 $0x1082  }
0x22: {  	[simem:s7], [sflag:s8] =	dma.local @!p0 [hbm:s6], $0xF7A  }
0x23: {  	s9 =	sor.u32 $0xD0000000, s2;
	s6 =	simm.s32 $0x108;
	_ =	swait.ge @!p0 [sflag:s8], $0x0  }
0x24: {  	s3 =	sadd.s32 $0x88, s3;
	s6 =	simm.s32 @!p1 $0x1082;
	[sflag:s4] =	ssyncset.s32 $0xFFFFF086  }
0x25: {  	[simem:s6], [sflag:s4] =	dma.local [hbm:s3], $0xF7A  }
0x26: {  	[smem:$0x3F9F] =	sst s1;
	(tag) =	ssettag s2;
	_ =	strace s9  }
0x27: {  	s1 =	sld [smem:$0x3FAF]  }
0x28: {  	s2 =	sld [smem:$0x3FB0]  }
0x29: {  	s4 =	sld [smem:$0x3FB2]  }
0x2a: {  	p0 =	seq.s32 s5, $0x0;
	s5 =	sld [smem:$0x3FB3]  }
0x2b: {  	s6 =	sld [smem:$0x3FB4]  }
0x2c: {  	s7 =	sld [smem:$0x3FB5]  }
0x2d: {  	s3 =	simm.s32 $0x108;
	s8 =	sld [smem:$0x3FB6]  }
0x2e: {  	s3 =	simm.s32 @!p0 $0x1082;
	s9 =	sld [smem:$0x3FB7]  }
0x2f: {  	lr =	sadd.s32 s0, s3;
	s0 =	sld [smem:$0x3FAE]  }
0x30: {  	s3 =	sld [smem:$0x3FB1]  }
0x31: {  	[smem:$0x3FBA] =	sst s10  }
0x32: {  	s10 =	sld [smem:$0x3FB8];
	_ =	sdelay $0x3  }
0x33: {  	p0 =	seq.s32 s10, $0x1;
	s10 =	sld [smem:$0x3FBA];
	_ =	sdelay $0x3  }
0x34: {  	[smem:$0x3FBA] =	sst s10  }
0x35: {  	s10 =	sld [smem:$0x3FB9];
	_ =	sdelay $0x3  }
0x36: {  	p1 =	seq.s32 s10, $0x1;
	s10 =	sld [smem:$0x3FBA];
	_ =	sdelay $0x3  }
0x37: {  	[smem:$0x3FBA] =	sst s10  }
0x38: {  	s10 =	sld [smem:$0x3FBB]  }
0x39: {  	_ = 	snop;
	(pc) =	sbr.ind lr, $3  }
0x3a: {  	_ = 	snop  }
0x3b: {  	_ = 	snop  }
0x3c: {  	p2 =	seq.s32 s10, $0x1;
	s10 =	sld [smem:$0x3FBA]  }
0x3d: {  	_ =	shalt  }
0x3e: {  	_ =	shalt  }
0x3f: {  	_ =	shalt  }
0x40: {  	_ =	shalt  }
0x41: {  	_ =	shalt  }
0x42: {  	_ =	shalt  }
0x43: {  	_ =	shalt  }
0x44: {  	_ =	shalt  }
0x45: {  	_ =	shalt  }
0x46: {  	_ =	shalt  }
0x47: {  	_ =	shalt  }
0x48: {  	_ =	shalt  }
0x49: {  	_ =	shalt  }
0x4a: {  	_ =	shalt  }
0x4b: {  	_ =	shalt  }
0x4c: {  	_ =	shalt  }
0x4d: {  	_ =	shalt  }
0x4e: {  	_ =	shalt  }
0x4f: {  	_ =	shalt  }
0x50: {  	_ =	shalt  }
0x51: {  	_ =	shalt  }
0x52: {  	_ =	shalt  }
0x53: {  	_ =	shalt  }
0x54: {  	_ =	shalt  }
0x55: {  	_ =	shalt  }
0x56: {  	_ =	shalt  }
0x57: {  	_ =	shalt  }
0x58: {  	_ =	shalt  }
0x59: {  	_ =	shalt  }
0x5a: {  	_ =	shalt  }
0x5b: {  	_ =	shalt  }
0x5c: {  	_ =	shalt  }
0x5d: {  	_ =	shalt  }
0x5e: {  	_ =	shalt  }
0x5f: {  	_ =	shalt  }
0x60: {  	_ =	shalt  }
0x61: {  	_ =	shalt  }
0x62: {  	_ =	shalt  }
0x63: {  	_ =	shalt  }
0x64: {  	_ =	shalt  }
0x65: {  	_ =	shalt  }
0x66: {  	_ =	shalt  }
0x67: {  	_ =	shalt  }
0x68: {  	_ =	shalt  }
0x69: {  	_ =	shalt  }
0x6a: {  	_ =	shalt  }
0x6b: {  	_ =	shalt  }
0x6c: {  	_ =	shalt  }
0x6d: {  	_ =	shalt  }
0x6e: {  	_ =	shalt  }
0x6f: {  	_ =	shalt  }
0x70: {  	_ =	shalt  }
0x71: {  	_ =	shalt  }
0x72: {  	_ =	shalt  }
0x73: {  	_ =	shalt  }
0x74: {  	_ =	shalt  }
0x75: {  	_ =	shalt  }
0x76: {  	_ =	shalt  }
0x77: {  	_ =	shalt  }
0x78: {  	_ =	shalt  }
0x79: {  	_ =	shalt  }
0x7a: {  	_ =	shalt  }
0x7b: {  	_ =	shalt  }
0x7c: {  	_ =	shalt  }
0x7d: {  	_ =	shalt  }
0x7e: {  	_ =	shalt  }
0x7f: {  	_ =	shalt  }
0x80: {  	_ =	shalt  }
0x81: {  	_ =	shalt  }
0x82: {  	_ =	shalt  }
0x83: {  	_ =	shalt  }
0x84: {  	_ =	shalt  }
0x85: {  	_ =	shalt  }
0x86: {  	_ =	shalt  }
0x87: {  	_ =	shalt  }
.Lfunc_end0:
.L_simem_size_0:
called_computation_lowered:
.L_overlay_start_0:
0x88: {  	s2 =	sld [smem:$0x3FD9]  }
0x89: {  	s3 =	sld [smem:$0x3FFE];
	_ =	sdelay $0x1  }
0x8a: {  	s1 =	srdreg.scid  }
0x8b: {  	s0 =	sand.u32 $0x1, s1  }
0x8c: {  	s14 =	sshll.u32 s0, $0xA;
	s2 =	sadd.s32 s3, s2  }
0x8d: {  	s2 =	sadd.s32 s2, s14  }
0x8e: {  	[smem:$0x3FC6] =	sst s2  }
0x8f: {  	_ = 	snop  }
0x90: {  	s2 =	sld [smem:$0x3FD0];
	_ =	sdelay $0x2  }
0x91: {  	s4 =	simm.s32 $0xA;
	s5 =	simm.s32 $0x10;
	s15 =	sld [smem:$0x3FC8]  }
0x92: {  	[smem:s5], [sflag:s4] =	dma.local [hbm:s2], $0x1  }
0x93: {  	_ =	swait.eq [sflag:s4], $0x1  }
0x94: {  	[sflag:s4] =	ssyncset.done $0x0  }
0x95: {  	s16 =	sld [smem:$0x10];
	[sflag:s4] =	ssyncadd.s32 $0xFFFFFFFF  }
0x96: {  	s17 =	sld [smem:$0x11];
	(tm) =	ssettm $0x1  }
0x97: {  	s18 =	sld [smem:$0x3FFB];
	_ =	sdelay $0x3  }
0x98: {  	_ =	strace s18  }
0x99: {  	s5 =	sld [smem:$0x3FFC];
	_ =	sdelay $0x3  }
0x9a: {  	_ =	strace s5  }
0x9b: {  	s5 =	sld [smem:$0x3FFD];
	_ =	sdelay $0x3  }
0x9c: {  	_ =	strace s5  }
0x9d: {  	_ =	strace $0x8FFFFFFF  }
0x9e: {  	s19 =	sld [smem:$0x3FDB];
	_ =	sdelay $0x1  }
0x9f: {  	s6 =	simm.s32 $_scs_section_size  }
0xa0: {  	s7 =	simm.s32 $_size__tile_overlayer_lowered;
	s8 =	simm.s32 $_tile_overlayer_lowered  }
0xa1: {  	s22 =	simm.s32 $0x1BFF;
	s21 =	sshll.u32 s8, $0x1;
	s5 =	sadd.s32 s6, s19  }
0xa2: {  	s9 =	simm.s32 $0x0;
	s20 =	sshll.u32 s7, $0x1;
	s7 =	sadd.s32 s21, s5  }
0xa3: {  	[timem:s9], [sflag:s22] =	dma.local [hbm:s7], s20  }
0xa4: {  	_ =	swait.ge [sflag:s22], s20  }
0xa5: {  	s6 =	ssub.s32 $0x0, s20;
	[sflag:s22] =	ssyncset.done $0x0  }
0xa6: {  	[sflag:s22] =	ssyncadd.s32 s6;
	_ =	sdelay $0x1  }
0xa7: {  	s23 =	simm.s32 $0x1B8B  }
0xa8: {  	_ =	swait.ge [sflag:s23], $0x1  }
0xa9: {  	[sflag:s23] =	ssyncset.done $0x0  }
0xaa: {  	s25 =	simm.s32 $0x1B8E;
	s24 =	sld [smem:$0x3FFE];
	[sflag:s23] =	ssyncadd.s32 $0xFFFFFFFF  }
0xab: {  	s26 =	simm.s32 $execute0_lowered;
	[smem:$0x3FD2] =	sst s25  }
0xac: {  	s7 =	sshll.u32 s26, $0x1;
	_ =	strace $0x80000046;
	[dreg:$0x1] =	wrdreg $0xFFFFFFFF  }
0xad: {  	s28 =	simm.s32 $_size_execute0_lowered;
	s5 =	sadd.s32 s5, s7;
	[dreg:$0x0] =	wrdreg $0x0  }
0xae: {  	s7 =	sshll.u32 s28, $0x1;
	[dreg:$0x2] =	wrdreg s5  }
0xaf: {  	[dreg:$0x3] =	wrdreg s7  }
0xb0: {  	[dreg:$0x4] =	wrdreg $0xC0  }
0xb1: {  	_ =	task [dreg:s9], $0x5FFFF  }
0xb2: {  	[dreg:$0x1] =	wrdreg $0xFFFFFFFF  }
0xb3: {  	[dreg:$0x0] =	wrdreg $0x60  }
0xb4: {  	[dreg:$0x2] =	wrdreg s15  }
0xb5: {  	[dreg:$0x3] =	wrdreg s24  }
0xb6: {  	[dreg:$0x4] =	wrdreg s17  }
0xb7: {  	[dreg:$0x5] =	wrdreg s16  }
0xb8: {  	[dreg:$0x6] =	wrdreg $0x101800  }
0xb9: {  	[dreg:$0x7] =	wrdreg $0x9  }
0xba: {  	_ =	task.clear_ibuf [dreg:s9], $0x8FFFF;
	_ =	strace $0x90000046  }
0xbb: {  	s29 =	simm.s32 $0x9;
	_ =	strace $0x80000048  }
0xbc: {  	_ =	swait.ge [sflag:s29], $0x1  }
0xbd: {  	[sflag:s29] =	ssyncadd.s32 $0xFFFFFFFF  }
0xbe: {  	_ =	strace $0x90000048  }
0xbf: {  	_ =	sfence  }
0xc0: {  	s30 =	sld [smem:$0x0];
	_ =	sdelay $0x2  }
0xc1: {  	s31 =	sshll.u32 s1, $0xD;
	s1 =	sshrl.u32 s1, $0x2  }
0xc2: {  	s3 =	sand.u32 $0x4000, s31;
	s1 =	sadd.s32 s1, s30  }
0xc3: {  	s0 =	sor.u32 s3, s0;
	s1 =	sshll.u32 s1, $0x11  }
0xc4: {  	s0 =	sor.u32 s1, s0  }
0xc5: {  	s0 =	sadd.s32 $0x8F2B, s0  }
0xc6: {  	[sflag:s0] =	ssyncadd.remote.s32 $0x1  }
0xc7: {  	_ =	sfence.sel $0xFFFF  }
0xc8: {  	[dreg:$0x0] =	wrdreg $0xFFFFFFFF;
	(pc) =	sbr.abs _section_cstart, $3  }
0xc9: {  	[dreg:$0x1] =	wrdreg $0xFFFFFFFF  }
0xca: {  	_ =	task.clear_ibuf [dreg:s9], $0x2FFFF;
	_ =	strace $0x9FFFFFFF  }
0xcb: {  	(tm) =	ssettm $0x7FFFFFFF  }
tec
execute0_lowered:
.L_overlay_start_1:
0x0: {  	(tag) =	ssettag $0x1  }
0x1: {  	s0 =	rddreg [dreg:$0x0]  }
0x2: {  	s4 =	rddreg [dreg:$0x1]  }
0x3: {  	s1 =	rddreg [dreg:$0x2]  }
0x4: {  	s5 =	rddreg [dreg:$0x3]  }
0x5: {  	s2 =	rddreg [dreg:$0x4];
	s3 =	srdreg.scid  }
0x6: {  	[dreg:$0x7] =	wrdreg s1;
	s7 =	sand.u32 $0x1, s3;
	s3 =	simm.s32 $0x0  }
0x7: {  	s10 =	sadd.s32 $0x1400, s4;
	[smem:$0x7FF] =	sst s3  }
0x8: {  	s15 =	simm.s32 $0x900;
	_ =	strace $0x80000047;
	[dreg:$0x6] =	wrdreg s10  }
0x9: {  	s16 =	simm.s32 $0x1100;
	[dreg:$0xb] =	wrdreg s15  }
0xa: {  	s17 =	simm.s32 $0x1900;
	[dreg:$0xc] =	wrdreg s16  }
0xb: {  	s18 =	simm.s32 $0x2100;
	[dreg:$0xd] =	wrdreg s17  }
0xc: {  	s6 =	stileid.u32;
	s19 =	simm.s32 $0x2900;
	[dreg:$0xe] =	wrdreg s18  }
0xd: {  	s20 =	simm.s32 $0x3100;
	s21 =	simm.s32 $0x3900;
	[dreg:$0xf] =	wrdreg s19  }
0xe: {  	s22 =	simm.s32 $0x4100;
	s23 =	simm.s32 $0x4900;
	[dreg:$0x10] =	wrdreg s20  }
0xf: {  	s25 =	simm.s32 $0x5100;
	s26 =	simm.s32 $0x5900;
	[dreg:$0x11] =	wrdreg s21  }
0x10: {  	s28 =	simm.s32 $0x6100;
	s29 =	simm.s32 $0x6900;
	[dreg:$0x12] =	wrdreg s22  }
0x11: {  	s30 =	simm.s32 $0x7100;
	s31 =	simm.s32 $0x7900;
	[dreg:$0x13] =	wrdreg s23  }
0x12: {  	s11 =	simm.s32 $0xA100;
	s12 =	simm.s32 $0xA900;
	[dreg:$0x14] =	wrdreg s25  }
0x13: {  	s13 =	simm.s32 $0xB100;
	s8 =	sshll.u32 s6, $0x2;
	[dreg:$0x15] =	wrdreg s26  }
0x14: {  	p0 =	sne.s32 s6, $0x0;
	s6 =	simm.s32 $0x100;
	[dreg:$0x16] =	wrdreg s28  }
0x15: {  	s9 =	sshll.u32 s7, $0x1;
	s14 =	sshll.u32 s7, $0x4;
	[dreg:$0x17] =	wrdreg s29  }
0x16: {  	s24 =	ssub.s32 $0x2, s7;
	s8 =	sor.u32 s9, s8;
	[dreg:$0x18] =	wrdreg s30  }
0x17: {  	s5 =	sadd.s32 s5, s14;
	s7 =	sshrl.u32 s24, $0x1;
	[dreg:$0x19] =	wrdreg s31  }
0x18: {  	s10 =	simm.s32 $0x9900;
	s14 =	simm.s32 $0xB900;
	s15 =	simm.s32 $0xC100  }
0x19: {  	s16 =	simm.s32 $0xC900;
	s17 =	simm.s32 $0xD100;
	s18 =	simm.s32 $0xD900  }
0x1a: {  	s19 =	simm.s32 $0xE100;
	s20 =	simm.s32 $0xE900;
	s21 =	simm.s32 $0xF100  }
0x1b: {  	s22 =	simm.s32 $0xF900;
	s23 =	simm.s32 $0x10100;
	s9 =	sshll.u32 s8, $0x4  }
0x1c: {  	s25 =	simm.s32 $0x1;
	s8 =	sshll.u32 s8, $0xC;
	s9 =	sadd.s32 s9, s4  }
0x1d: {  	[dreg:$0x9] =	wrdreg s5;
	s4 =	sadd.s32 s8, s4;
	s9 =	sadd.s32 $0x1000, s9  }
0x1e: {  	v2 =	vlaneseq.u32;
	s5 =	ssub.s32 s24, s7;
	s4 =	sadd.s32 $0x1800, s4;
	[dreg:$0x8] =	wrdreg s9  }
0x1f: {  	vm0 =	vmmov $0xffff;
	v1 =	vshrl.u32 v2, $0x3;
	s24 =	simm.s32 $0x80;
	s8 =	simm.s32 $0x8900;
	[dreg:$0xa] =	wrdreg s4  }
0x20: {  	v0 =	vand.u32 $0x7, v2;
	v2 =	vor.u32 $0x8, v2;
	v1 =	vmul.u32 $0x8, v1;
	s4 =	smax.u32 s5, $0x1;
	s5 =	simm.s32 $0x2;
	s9 =	simm.s32 $0x9100  }
.LBB2_1:
0x21: {  	s26 =	rddreg [dreg:$0x8]  }
0x22: {  	[tilespmem:s3], [sflag:$0x2] =	stream.linear.gather [hbm4b:s26+s3], $0x100, $0x38;
	[tilespmem:$0x10380] =	vst v63  }
0x23: {  	_ =	swait.ge [sflag:s5], $0x100  }
0x24: {  	[sflag:s5] =	ssyncset.done $0x0  }
0x25: {  	[sflag:s5] =	ssyncadd.s32 $0xFFFFFF00  }
0x26: {  	v3 =	vld [tilespmem:$0x0];
	_ =	sdelay $0x4  }
0x27: {  	v4 =	vshll.u32 v3, $0x1  }
0x28: {  	v3 =	vand.u32 $0x7, v3;
	v4 =	vand.u32 $0xFFFFFFF0, v4  }
0x29: {  	v3 =	vor.u32 v3, v4  }
0x2a: {  	v4 =	vperm.xlane v3, v0;
	_ =	sdelay $0x1  }
0x2b: {  	v3 =	vperm.xlane v3, v2;
	v4 =	vadd.s32 v1, v4;
	_ =	sdelay $0x1  }
0x2c: {  	v3 =	vadd.s32 v1, v3;
	_ =	sdelay $0x2  }
0x2d: {  	[tilespmem:s6], [sflag:$0x1] =	stream.indirect_vreg.gather [hbm4b:s0+s3], $0x80, v4, vm0, $0xb8;
	[tilespmem:$0x10380] =	vst v63  }
0x2e: {  	s1 =	rddreg [dreg:$0xb]  }
0x2f: {  	[tilespmem:s1], [sflag:$0x1] =	stream.indirect_vreg.gather [hbm4b:s0+s3], $0x80, v3, vm0, $0xb8;
	[tilespmem:$0x10380] =	vst v63  }
0x30: {  	v3 =	vld [tilespmem:$0x10];
	_ =	sdelay $0x4  }
0x31: {  	v49 =	vshll.u32 v3, $0x1  }
0x32: {  	v3 =	vand.u32 $0x7, v3;
	v4 =	vand.u32 $0xFFFFFFF0, v49  }
0x33: {  	v3 =	vor.u32 v3, v4  }
0x34: {  	v4 =	vperm.xlane v3, v0;
	_ =	sdelay $0x1  }
0x35: {  	v3 =	vperm.xlane v3, v2;
	v4 =	vadd.s32 v1, v4;
	_ =	sdelay $0x1  }
0x36: {  	v3 =	vadd.s32 v1, v3;
	_ =	sdelay $0x1  }
0x37: {  	s7 =	rddreg [dreg:$0xc]  }
0x38: {  	[tilespmem:s7], [sflag:$0x1] =	stream.indirect_vreg.gather [hbm4b:s0+s3], $0x80, v4, vm0, $0xb8;
	[tilespmem:$0x10380] =	vst v63  }
0x39: {  	s28 =	rddreg [dreg:$0xd]  }
0x3a: {  	[tilespmem:s28], [sflag:$0x1] =	stream.indirect_vreg.gather [hbm4b:s0+s3], $0x80, v3, vm0, $0xb8;
	[tilespmem:$0x10380] =	vst v63  }
0x3b: {  	v3 =	vld [tilespmem:$0x20];
	_ =	sdelay $0x4  }
0x3c: {  	v50 =	vshll.u32 v3, $0x1  }
0x3d: {  	v3 =	vand.u32 $0x7, v3;
	v4 =	vand.u32 $0xFFFFFFF0, v50  }
0x3e: {  	v3 =	vor.u32 v3, v4  }
0x3f: {  	v4 =	vperm.xlane v3, v0;
	_ =	sdelay $0x1  }
0x40: {  	v3 =	vperm.xlane v3, v2;
	v4 =	vadd.s32 v1, v4;
	_ =	sdelay $0x1  }
0x41: {  	v3 =	vadd.s32 v1, v3;
	_ =	sdelay $0x1  }
0x42: {  	s29 =	rddreg [dreg:$0xe]  }
0x43: {  	[tilespmem:s29], [sflag:$0x1] =	stream.indirect_vreg.gather [hbm4b:s0+s3], $0x80, v4, vm0, $0xb8;
	[tilespmem:$0x10380] =	vst v63  }
0x44: {  	s30 =	rddreg [dreg:$0xf]  }
0x45: {  	[tilespmem:s30], [sflag:$0x1] =	stream.indirect_vreg.gather [hbm4b:s0+s3], $0x80, v3, vm0, $0xb8;
	[tilespmem:$0x10380] =	vst v63  }
0x46: {  	v3 =	vld [tilespmem:$0x30];
	_ =	sdelay $0x4  }
0x47: {  	v51 =	vshll.u32 v3, $0x1  }
0x48: {  	v3 =	vand.u32 $0x7, v3;
	v4 =	vand.u32 $0xFFFFFFF0, v51  }
0x49: {  	v3 =	vor.u32 v3, v4  }
0x4a: {  	v4 =	vperm.xlane v3, v0;
	_ =	sdelay $0x1  }
0x4b: {  	v3 =	vperm.xlane v3, v2;
	v4 =	vadd.s32 v1, v4;
	_ =	sdelay $0x1  }
0x4c: {  	v3 =	vadd.s32 v1, v3;
	_ =	sdelay $0x1  }
0x4d: {  	s31 =	rddreg [dreg:$0x10]  }
0x4e: {  	[tilespmem:s31], [sflag:$0x1] =	stream.indirect_vreg.gather [hbm4b:s0+s3], $0x80, v4, vm0, $0xb8;
	[tilespmem:$0x10380] =	vst v63  }
0x4f: {  	s1 =	rddreg [dreg:$0x11]  }
0x50: {  	[tilespmem:s1], [sflag:$0x1] =	stream.indirect_vreg.gather [hbm4b:s0+s3], $0x80, v3, vm0, $0xb8;
	[tilespmem:$0x10380] =	vst v63  }
0x51: {  	v3 =	vld [tilespmem:$0x40];
	_ =	sdelay $0x4  }
0x52: {  	v52 =	vshll.u32 v3, $0x1  }
0x53: {  	v3 =	vand.u32 $0x7, v3;
	v4 =	vand.u32 $0xFFFFFFF0, v52  }
0x54: {  	v3 =	vor.u32 v3, v4  }
0x55: {  	v4 =	vperm.xlane v3, v0;
	_ =	sdelay $0x1  }
0x56: {  	v3 =	vperm.xlane v3, v2;
	v4 =	vadd.s32 v1, v4;
	_ =	sdelay $0x1  }
0x57: {  	v3 =	vadd.s32 v1, v3;
	_ =	sdelay $0x1  }
0x58: {  	s7 =	rddreg [dreg:$0x12]  }
0x59: {  	[tilespmem:s7], [sflag:$0x1] =	stream.indirect_vreg.gather [hbm4b:s0+s3], $0x80, v4, vm0, $0xb8;
	[tilespmem:$0x10380] =	vst v63  }
0x5a: {  	s29 =	rddreg [dreg:$0x13]  }
0x5b: {  	[tilespmem:s29], [sflag:$0x1] =	stream.indirect_vreg.gather [hbm4b:s0+s3], $0x80, v3, vm0, $0xb8;
	[tilespmem:$0x10380] =	vst v63  }
0x5c: {  	v3 =	vld [tilespmem:$0x50];
	_ =	sdelay $0x4  }
0x5d: {  	v53 =	vshll.u32 v3, $0x1  }
0x5e: {  	v3 =	vand.u32 $0x7, v3;
	v4 =	vand.u32 $0xFFFFFFF0, v53  }
0x5f: {  	v3 =	vor.u32 v3, v4  }
0x60: {  	v4 =	vperm.xlane v3, v0;
	_ =	sdelay $0x1  }
0x61: {  	v3 =	vperm.xlane v3, v2;
	v4 =	vadd.s32 v1, v4;
	_ =	sdelay $0x1  }
0x62: {  	v3 =	vadd.s32 v1, v3;
	_ =	sdelay $0x1  }
0x63: {  	s30 =	rddreg [dreg:$0x14]  }
0x64: {  	[tilespmem:s30], [sflag:$0x1] =	stream.indirect_vreg.gather [hbm4b:s0+s3], $0x80, v4, vm0, $0xb8;
	[tilespmem:$0x10380] =	vst v63  }
0x65: {  	s31 =	rddreg [dreg:$0x15]  }
0x66: {  	[tilespmem:s31], [sflag:$0x1] =	stream.indirect_vreg.gather [hbm4b:s0+s3], $0x80, v3, vm0, $0xb8;
	[tilespmem:$0x10380] =	vst v63  }
0x67: {  	v3 =	vld [tilespmem:$0x60];
	_ =	sdelay $0x4  }
0x68: {  	v54 =	vshll.u32 v3, $0x1  }
0x69: {  	v3 =	vand.u32 $0x7, v3;
	v4 =	vand.u32 $0xFFFFFFF0, v54  }
0x6a: {  	v3 =	vor.u32 v3, v4  }
0x6b: {  	v4 =	vperm.xlane v3, v0;
	_ =	sdelay $0x1  }
0x6c: {  	v3 =	vperm.xlane v3, v2;
	v4 =	vadd.s32 v1, v4;
	_ =	sdelay $0x1  }
0x6d: {  	v3 =	vadd.s32 v1, v3;
	_ =	sdelay $0x1  }
0x6e: {  	s1 =	rddreg [dreg:$0x16]  }
0x6f: {  	[tilespmem:s1], [sflag:$0x1] =	stream.indirect_vreg.gather [hbm4b:s0+s3], $0x80, v4, vm0, $0xb8;
	[tilespmem:$0x10380] =	vst v63  }
0x70: {  	s7 =	rddreg [dreg:$0x17]  }
0x71: {  	[tilespmem:s7], [sflag:$0x1] =	stream.indirect_vreg.gather [hbm4b:s0+s3], $0x80, v3, vm0, $0xb8;
	[tilespmem:$0x10380] =	vst v63  }
0x72: {  	v3 =	vld [tilespmem:$0x70];
	_ =	sdelay $0x4  }
0x73: {  	v55 =	vshll.u32 v3, $0x1  }
0x74: {  	v3 =	vand.u32 $0x7, v3;
	v4 =	vand.u32 $0xFFFFFFF0, v55  }
0x75: {  	v3 =	vor.u32 v3, v4  }
0x76: {  	v4 =	vperm.xlane v3, v0;
	_ =	sdelay $0x1  }
0x77: {  	v3 =	vperm.xlane v3, v2;
	v4 =	vadd.s32 v1, v4;
	_ =	sdelay $0x1  }
0x78: {  	v3 =	vadd.s32 v1, v3;
	_ =	sdelay $0x1  }
0x79: {  	s29 =	rddreg [dreg:$0x18]  }
0x7a: {  	[tilespmem:s29], [sflag:$0x1] =	stream.indirect_vreg.gather [hbm4b:s0+s3], $0x80, v4, vm0, $0xb8;
	[tilespmem:$0x10380] =	vst v63  }
0x7b: {  	s30 =	rddreg [dreg:$0x19]  }
0x7c: {  	[tilespmem:s30], [sflag:$0x1] =	stream.indirect_vreg.gather [hbm4b:s0+s3], $0x80, v3, vm0, $0xb8;
	[tilespmem:$0x10380] =	vst v63  }
0x7d: {  	v3 =	vld [tilespmem:$0x80];
	_ =	sdelay $0x4  }
0x7e: {  	v56 =	vshll.u32 v3, $0x1  }
0x7f: {  	v3 =	vand.u32 $0x7, v3;
	v4 =	vand.u32 $0xFFFFFFF0, v56  }
0x80: {  	v3 =	vor.u32 v3, v4  }
0x81: {  	v4 =	vperm.xlane v3, v0;
	_ =	sdelay $0x1  }
0x82: {  	v3 =	vperm.xlane v3, v2;
	v4 =	vadd.s32 v1, v4;
	_ =	sdelay $0x1  }
0x83: {  	v3 =	vadd.s32 v1, v3;
	_ =	sdelay $0x1  }
0x84: {  	s1 =	simm.s32 $0x8100  }
0x85: {  	[tilespmem:s1], [sflag:$0x1] =	stream.indirect_vreg.gather [hbm4b:s0+s3], $0x80, v4, vm0, $0xb8;
	[tilespmem:$0x10380] =	vst v63  }
0x86: {  	_ = 	snop  }
0x87: {  	[tilespmem:s8], [sflag:$0x1] =	stream.indirect_vreg.gather [hbm4b:s0+s3], $0x80, v3, vm0, $0xb8;
	[tilespmem:$0x10380] =	vst v63  }
0x88: {  	v3 =	vld [tilespmem:$0x90];
	_ =	sdelay $0x4  }
0x89: {  	v57 =	vshll.u32 v3, $0x1  }
0x8a: {  	v3 =	vand.u32 $0x7, v3;
	v4 =	vand.u32 $0xFFFFFFF0, v57  }
0x8b: {  	v3 =	vor.u32 v3, v4  }
0x8c: {  	v4 =	vperm.xlane v3, v0;
	_ =	sdelay $0x1  }
0x8d: {  	v3 =	vperm.xlane v3, v2;
	v4 =	vadd.s32 v1, v4;
	_ =	sdelay $0x1  }
0x8e: {  	v3 =	vadd.s32 v1, v3;
	_ =	sdelay $0x2  }
0x8f: {  	[tilespmem:s9], [sflag:$0x1] =	stream.indirect_vreg.gather [hbm4b:s0+s3], $0x80, v4, vm0, $0xb8;
	[tilespmem:$0x10380] =	vst v63  }
0x90: {  	_ = 	snop  }
0x91: {  	[tilespmem:s10], [sflag:$0x1] =	stream.indirect_vreg.gather [hbm4b:s0+s3], $0x80, v3, vm0, $0xb8;
	[tilespmem:$0x10380] =	vst v63  }
0x92: {  	v3 =	vld [tilespmem:$0xA0];
	_ =	sdelay $0x4  }
0x93: {  	v58 =	vshll.u32 v3, $0x1  }
0x94: {  	v3 =	vand.u32 $0x7, v3;
	v4 =	vand.u32 $0xFFFFFFF0, v58  }
0x95: {  	v3 =	vor.u32 v3, v4  }
0x96: {  	v4 =	vperm.xlane v3, v0;
	_ =	sdelay $0x1  }
0x97: {  	v3 =	vperm.xlane v3, v2;
	v4 =	vadd.s32 v1, v4;
	_ =	sdelay $0x1  }
0x98: {  	v3 =	vadd.s32 v1, v3;
	_ =	sdelay $0x2  }
0x99: {  	[tilespmem:s11], [sflag:$0x1] =	stream.indirect_vreg.gather [hbm4b:s0+s3], $0x80, v4, vm0, $0xb8;
	[tilespmem:$0x10380] =	vst v63  }
0x9a: {  	_ = 	snop  }
0x9b: {  	[tilespmem:s12], [sflag:$0x1] =	stream.indirect_vreg.gather [hbm4b:s0+s3], $0x80, v3, vm0, $0xb8;
	[tilespmem:$0x10380] =	vst v63  }
0x9c: {  	v3 =	vld [tilespmem:$0xB0];
	_ =	sdelay $0x4  }
0x9d: {  	v59 =	vshll.u32 v3, $0x1  }
0x9e: {  	v3 =	vand.u32 $0x7, v3;
	v4 =	vand.u32 $0xFFFFFFF0, v59  }
0x9f: {  	v3 =	vor.u32 v3, v4  }
0xa0: {  	v4 =	vperm.xlane v3, v0;
	_ =	sdelay $0x1  }
0xa1: {  	v3 =	vperm.xlane v3, v2;
	v4 =	vadd.s32 v1, v4;
	_ =	sdelay $0x1  }
0xa2: {  	v3 =	vadd.s32 v1, v3;
	_ =	sdelay $0x2  }
0xa3: {  	[tilespmem:s13], [sflag:$0x1] =	stream.indirect_vreg.gather [hbm4b:s0+s3], $0x80, v4, vm0, $0xb8;
	[tilespmem:$0x10380] =	vst v63  }
0xa4: {  	_ = 	snop  }
0xa5: {  	[tilespmem:s14], [sflag:$0x1] =	stream.indirect_vreg.gather [hbm4b:s0+s3], $0x80, v3, vm0, $0xb8;
	[tilespmem:$0x10380] =	vst v63  }
0xa6: {  	v3 =	vld [tilespmem:$0xC0];
	_ =	sdelay $0x4  }
0xa7: {  	v60 =	vshll.u32 v3, $0x1  }
0xa8: {  	v3 =	vand.u32 $0x7, v3;
	v4 =	vand.u32 $0xFFFFFFF0, v60  }
0xa9: {  	v3 =	vor.u32 v3, v4  }
0xaa: {  	v4 =	vperm.xlane v3, v0;
	_ =	sdelay $0x1  }
0xab: {  	v3 =	vperm.xlane v3, v2;
	v4 =	vadd.s32 v1, v4;
	_ =	sdelay $0x1  }
0xac: {  	v3 =	vadd.s32 v1, v3;
	_ =	sdelay $0x2  }
0xad: {  	[tilespmem:s15], [sflag:$0x1] =	stream.indirect_vreg.gather [hbm4b:s0+s3], $0x80, v4, vm0, $0xb8;
	[tilespmem:$0x10380] =	vst v63  }
0xae: {  	_ = 	snop  }
0xaf: {  	[tilespmem:s16], [sflag:$0x1] =	stream.indirect_vreg.gather [hbm4b:s0+s3], $0x80, v3, vm0, $0xb8;
	[tilespmem:$0x10380] =	vst v63  }
0xb0: {  	v3 =	vld [tilespmem:$0xD0];
	_ =	sdelay $0x4  }
0xb1: {  	v61 =	vshll.u32 v3, $0x1  }
0xb2: {  	v3 =	vand.u32 $0x7, v3;
	v4 =	vand.u32 $0xFFFFFFF0, v61  }
0xb3: {  	v3 =	vor.u32 v3, v4  }
0xb4: {  	v4 =	vperm.xlane v3, v0;
	_ =	sdelay $0x1  }
0xb5: {  	v3 =	vperm.xlane v3, v2;
	v4 =	vadd.s32 v1, v4;
	_ =	sdelay $0x1  }
0xb6: {  	v3 =	vadd.s32 v1, v3;
	_ =	sdelay $0x2  }
0xb7: {  	[tilespmem:s17], [sflag:$0x1] =	stream.indirect_vreg.gather [hbm4b:s0+s3], $0x80, v4, vm0, $0xb8;
	[tilespmem:$0x10380] =	vst v63  }
0xb8: {  	_ = 	snop  }
0xb9: {  	[tilespmem:s18], [sflag:$0x1] =	stream.indirect_vreg.gather [hbm4b:s0+s3], $0x80, v3, vm0, $0xb8;
	[tilespmem:$0x10380] =	vst v63  }
0xba: {  	v3 =	vld [tilespmem:$0xE0];
	_ =	sdelay $0x4  }
0xbb: {  	v62 =	vshll.u32 v3, $0x1  }
0xbc: {  	v3 =	vand.u32 $0x7, v3;
	v4 =	vand.u32 $0xFFFFFFF0, v62  }
0xbd: {  	v3 =	vor.u32 v3, v4  }
0xbe: {  	v4 =	vperm.xlane v3, v0;
	_ =	sdelay $0x1  }
0xbf: {  	v3 =	vperm.xlane v3, v2;
	v4 =	vadd.s32 v1, v4;
	_ =	sdelay $0x1  }
0xc0: {  	v3 =	vadd.s32 v1, v3;
	_ =	sdelay $0x2  }
0xc1: {  	[tilespmem:s19], [sflag:$0x1] =	stream.indirect_vreg.gather [hbm4b:s0+s3], $0x80, v4, vm0, $0xb8;
	[tilespmem:$0x10380] =	vst v63  }
0xc2: {  	_ = 	snop  }
0xc3: {  	[tilespmem:s20], [sflag:$0x1] =	stream.indirect_vreg.gather [hbm4b:s0+s3], $0x80, v3, vm0, $0xb8;
	[tilespmem:$0x10380] =	vst v63  }
0xc4: {  	v3 =	vld [tilespmem:$0xF0];
	_ =	sdelay $0x4  }
0xc5: {  	v63 =	vshll.u32 v3, $0x1  }
0xc6: {  	v3 =	vand.u32 $0x7, v3;
	v4 =	vand.u32 $0xFFFFFFF0, v63  }
0xc7: {  	v3 =	vor.u32 v3, v4  }
0xc8: {  	v4 =	vperm.xlane v3, v0;
	_ =	sdelay $0x1  }
0xc9: {  	v3 =	vperm.xlane v3, v2;
	v4 =	vadd.s32 v1, v4;
	_ =	sdelay $0x1  }
0xca: {  	v3 =	vadd.s32 v1, v3;
	_ =	sdelay $0x2  }
0xcb: {  	[tilespmem:s21], [sflag:$0x1] =	stream.indirect_vreg.gather [hbm4b:s0+s3], $0x80, v4, vm0, $0xb8;
	[tilespmem:$0x10380] =	vst v63  }
0xcc: {  	s26 =	rddreg [dreg:$0x6];
	s28 =	sshrl.u32 @!p0 s2, $0x3;
	s29 =	simm.s32 @!p0 $0x1C02  }
0xcd: {  	[tilespmem:s22], [sflag:$0x1] =	stream.indirect_vreg.gather [hbm4b:s0+s3], $0x80, v3, vm0, $0xb8;
	[tilespmem:$0x10380] =	vst v63  }
0xce: {  	[spmem:s28], [sflag:s29] =	dma.local @!p0 [hbm:s26], $0x400  }
0xcf: {  	s26 =	simm.s32 @!p0 $0x2  }
0xd0: {  	_ =	swait.ge @!p0 [sflag:s26], $0x400  }
0xd1: {  	[sflag:s26] =	ssyncset.done @!p0 $0x0  }
0xd2: {  	s30 =	rddreg [dreg:$0x7];
	[sflag:s26] =	ssyncadd.s32 @!p0 $0xFFFFFC00  }
0xd3: {  	[tilespmem:s23], [sflag:$0x2] =	stream.linear.gather [hbm4b:s30+s3], $0x80, $0x38;
	[tilespmem:$0x10380] =	vst v63  }
0xd4: {  	_ =	swait.ge [sflag:s5], $0x80  }
0xd5: {  	[sflag:s5] =	ssyncset.done $0x0  }
0xd6: {  	[sflag:s5] =	ssyncadd.s32 $0xFFFFFF80  }
0xd7: {  	[bflag:$0x0] =	sbarrier.arrive $0xFFFF  }
0xd8: {  	[spmem:s2] =	stream.indirect.scatter.add.f32 [tilespmem:s23], [sflag:$0x2], $0x1, s3, s24, $0xb8;
	[tilespmem:$0x10380] =	vst v63  }
0xd9: {  	_ =	swait.ge [sflag:s5], $0x80  }
0xda: {  	[sflag:s5] =	ssyncset.done $0x0  }
0xdb: {  	[sflag:s5] =	ssyncadd.s32 $0xFFFFFF80  }
0xdc: {  	[spmem:s2] =	stream.indirect.scatter.add.f32 [tilespmem:s23], [sflag:$0x2], $0x1, s24, s24, $0xb8;
	[tilespmem:$0x10380] =	vst v63  }
0xdd: {  	_ =	swait.ge [sflag:s5], $0x80  }
0xde: {  	[sflag:s5] =	ssyncset.done $0x0  }
0xdf: {  	[sflag:s5] =	ssyncadd.s32 $0xFFFFFF80  }
0xe0: {  	s31 =	simm.s32 @!p0 $0x1;
	[bflag:$0x0] =	sbarrier.arrive $0xFFFF  }
0xe1: {  	s7 =	simm.s32 @!p0 $0x10;
	s1 =	simm.s32 @!p0 $0x20;
	s30 =	rddreg [dreg:$0x9]  }
0xe2: {  	[hbm:s30@s1], [sflag:s29] =	dma.strided @!p0 [spmem:s28@s7], $0x400, s31, $0x10   }
0xe3: {  	_ =	swait.ge @!p0 [sflag:s26], $0x400  }
0xe4: {  	[sflag:s26] =	ssyncset.done @!p0 $0x0  }
0xe5: {  	[sflag:s26] =	ssyncadd.s32 @!p0 $0xFFFFFC00  }
0xe6: {  	_ =	swait.ge [sflag:s25], $0x8000  }
0xe7: {  	[sflag:s25] =	ssyncset.done $0x0  }
0xe8: {  	[sflag:s25] =	ssyncadd.s32 $0xFFFF8000  }
0xe9: {  	s4 =	sadd.s32 $0xFFFFFFFF, s4;
	_ =	swait.ge [sflag:s25], $0x8000  }
0xea: {  	p1 =	sne.s32 s4, $0x0;
	[sflag:s25] =	ssyncset.done $0x0  }
.Ltmp0:
0xeb: {  	s31 =	rddreg [dreg:$0xa];
	[sflag:s25] =	ssyncadd.s32 $0xFFFF8000;
	(pc) =	sbr.rel @p1 .LBB2_1-.Ltmp0, $4  }
0xec: {  	[hbm4b:s31+s3] =	stream.linear.scatter [tilespmem:s6], [sflag:$0x2], $0x10000, $0x38;
	[tilespmem:$0x10380] =	vst v63  }
0xed: {  	_ =	swait.ge [sflag:s5], $0x10000  }
0xee: {  	[sflag:s5] =	ssyncset.done $0x0  }
0xef: {  	[sflag:s5] =	ssyncadd.s32 $0xFFFF0000  }
0xf0: {  	_ =	sfence.sel $0x180000  }
0xf1: {  	[bflag:$0x0] =	sbarrier.arrive $0xFFFF  }
0xf2: {  	_ =	strace $0x90000047  }
0xf3: {  	[bflag:$0x2] =	sbarrier.arrive $0xFFFF  }
0xf4: {  	s0 =	rddreg [dreg:$0x5]  }
0xf5: {  	s0 =	sadd.s32 @!p0 $0x100000, s0  }
0xf6: {  	[sflag:s0] =	ssyncadd.tile.s32 @!p0 $0x1;
	_ =	shalt  }
.Lfunc_end2:
_tile_overlayer_lowered:
.L_overlay_start_2:
0xf7: {  	(tag) =	ssettag $0x2  }
0xf8: {  	s0 =	rddreg [dreg:$0x0];
	s2 =	stileid.u32  }
0xf9: {  	s1 =	rddreg [dreg:$0x1];
	p0 =	sne.s32 s2, $0x0  }
0xfa: {  	s3 =	rddreg [dreg:$0x2];
	[bflag:$0x3] =	sbarrier.arrive $0xFFFF;
	s2 =	simm.s32 @!p0 $0x1C02  }
0xfb: {  	[timem:s3], [sflag:s2] =	dma.local @!p0 [hbm:s0], s1  }
0xfc: {  	s0 =	simm.s32 @!p0 $0x2  }
0xfd: {  	_ =	swait.ge @!p0 [sflag:s0], s1  }
0xfe: {  	s1 =	ssub.s32 @!p0 $0x0, s1;
	[sflag:s0] =	ssyncset.done @!p0 $0x0  }
0xff: {  	[sflag:s0] =	ssyncadd.s32 @!p0 s1  }
0x100: {  	[bflag:$0x3] =	sbarrier.arrive $0xFFFF  }
0x101: {  	_ =	shalt  }

</sc_bundles>
